<compile_context>
chip_gen: v7x
topology: tpu7x:2x2x1
jax: 0.10.2.dev20260603
libtpu: 0.0.44.dev20260713+nightly
codegen_flags: <defaults>
</compile_context>

<pallas_src>
import functools

import jax
import jax.numpy as jnp
from jax import lax
from jax.experimental import pallas as pl
from jax.experimental.pallas import tpu as pltpu
from jax.experimental.pallas import tpu_sc as plsc

TOPK = 8
CAP_FACTOR = 1.25
LB_W = 0.01
TB = 1024
FLOAT_BS_ITERS = 48


def _route_body(x_ref, w_ref, probs_ref, disp_ref, psum_ref, tpe_ref,
                loss_ref):
    num_e = w_ref.shape[0]
    x = x_ref[...]
    w = w_ref[...]
    logits = jax.lax.dot_general(
        x, w, (((1,), (1,)), ((), ())), preferred_element_type=jnp.float32)
    mx = jnp.max(logits, axis=-1, keepdims=True)
    ex = jnp.exp(logits - mx)
    p = ex / jnp.sum(ex, axis=-1, keepdims=True)
    probs_ref[...] = p

    lane = jax.lax.broadcasted_iota(jnp.int32, p.shape, 1)
    work = p
    ssum = jnp.zeros((p.shape[0], 1), jnp.float32)
    for _ in range(TOPK):
        m = jnp.max(work, axis=-1, keepdims=True)
        cand = jnp.where(work == m, lane, num_e)
        sel = jnp.min(cand, axis=-1, keepdims=True)
        work = jnp.where(lane == sel, -1.0, work)
        ssum = ssum + m
    d = jnp.where(work < 0.0, p, 0.0) / ssum
    disp_ref[...] = d

    part_p = jnp.sum(p, axis=0, keepdims=True)
    part_t = jnp.sum(d, axis=0, keepdims=True)
    i = pl.program_id(0)

    @pl.when(i == 0)
    def _():
        psum_ref[...] = part_p
        tpe_ref[...] = part_t

    @pl.when(i != 0)
    def _():
        psum_ref[...] += part_p
        tpe_ref[...] += part_t

    @pl.when(i == pl.num_programs(0) - 1)
    def _():
        n_tok = pl.num_programs(0) * x_ref.shape[0]
        loss = jnp.sum(psum_ref[...] * tpe_ref[...]) * jnp.float32(
            LB_W / n_tok)
        loss_ref[...] = loss.reshape(1, 1)


def _route_call(x, router_w, n_tok, d, num_e):
    return pl.pallas_call(
        _route_body,
        grid=(n_tok // TB,),
        in_specs=[
            pl.BlockSpec((TB, d), lambda i: (i, 0)),
            pl.BlockSpec((num_e, d), lambda i: (0, 0)),
        ],
        out_specs=[
            pl.BlockSpec((TB, num_e), lambda i: (i, 0)),
            pl.BlockSpec((TB, num_e), lambda i: (i, 0)),
            pl.BlockSpec((1, num_e), lambda i: (0, 0)),
            pl.BlockSpec((1, num_e), lambda i: (0, 0)),
            pl.BlockSpec((1, 1), lambda i: (0, 0)),
        ],
        out_shape=[
            jax.ShapeDtypeStruct((n_tok, num_e), jnp.float32),
            jax.ShapeDtypeStruct((n_tok, num_e), jnp.float32),
            jax.ShapeDtypeStruct((1, num_e), jnp.float32),
            jax.ShapeDtypeStruct((1, num_e), jnp.float32),
            jax.ShapeDtypeStruct((1, 1), jnp.float32),
        ],
    )(x, router_w)


def _t_body(x_ref, o_ref):
    o_ref[...] = jnp.transpose(x_ref[...], (1, 0))


def _transpose_to_expert_major(disp, n_tok, num_e):
    return pl.pallas_call(
        _t_body,
        grid=(n_tok // TB,),
        in_specs=[pl.BlockSpec((TB, num_e), lambda i: (i, 0))],
        out_specs=pl.BlockSpec((num_e, TB), lambda i: (0, i)),
        out_shape=jax.ShapeDtypeStruct((num_e, n_tok), jnp.float32),
    )(disp)


def _transpose_to_token_major(masked_t, n_tok, num_e):
    return pl.pallas_call(
        _t_body,
        grid=(n_tok // TB,),
        in_specs=[pl.BlockSpec((num_e, TB), lambda i: (0, i))],
        out_specs=pl.BlockSpec((TB, num_e), lambda i: (i, 0)),
        out_shape=jax.ShapeDtypeStruct((n_tok, num_e), jnp.float32),
    )(masked_t)


def _sc_cap_body(dispt_hbm, tpe_hbm, out_hbm, col_ref, tpe16_ref, tmp_ref,
                 *, capacity, n_tok, num_e):
    wid = lax.axis_index("s") * 2 + lax.axis_index("c")
    e_per = num_e // 32
    nv = n_tok // 16
    lanes = lax.iota(jnp.int32, 16)
    ones16 = jnp.full((16,), 1, jnp.int32)
    zeros16 = jnp.zeros((16,), jnp.int32)

    def _splat_sum(vec):
        for sh in (8, 4, 2, 1):
            tmp_ref[pl.ds(0, 16)] = vec
            tmp_ref[pl.ds(16, 16)] = vec
            vec = vec + tmp_ref[pl.ds(sh, 16)]
        return vec

    for k in range(e_per):
        e = wid * e_per + k
        pltpu.sync_copy(dispt_hbm.at[e], col_ref)
        pltpu.sync_copy(tpe_hbm.at[e], tpe16_ref)
        no_drop = tpe16_ref[...] <= jnp.float32(capacity)

        def _load(j):
            return col_ref[pl.ds(j * 16, 16)]

        def _cnt_ge(t_vec):
            def body(j, acc):
                return acc + jnp.where(_load(j) >= t_vec, ones16, zeros16)

            return _splat_sum(lax.fori_loop(0, nv, body, zeros16))

        def _cnt_gt(t_vec):
            def body(j, acc):
                return acc + jnp.where(_load(j) > t_vec, ones16, zeros16)

            return _splat_sum(lax.fori_loop(0, nv, body, zeros16))

        cap_vec = jnp.full((16,), capacity, jnp.int32)
        half = jnp.full((16,), 0.5, jnp.float32)

        def _bs(_, lh):
            lo, hi = lh
            mid = (lo + hi) * half
            ge = _cnt_ge(mid) >= cap_vec
            return jnp.where(ge, mid, lo), jnp.where(ge, hi, mid)

        vstar, _ = lax.fori_loop(
            0, FLOAT_BS_ITERS, _bs,
            (jnp.zeros((16,), jnp.float32),
             jnp.full((16,), 1.001, jnp.float32)))

        n_eq = cap_vec - _cnt_gt(vstar)

        def _cnt_eq_le(i_vec):
            def body(j, acc):
                hit = jnp.logical_and(_load(j) == vstar,
                                      lanes + j * 16 <= i_vec)
                return acc + jnp.where(hit, ones16, zeros16)

            return _splat_sum(lax.fori_loop(0, nv, body, zeros16))

        def _bsi(_, lh):
            lo, hi = lh
            mid = (lo + hi) >> 1
            ok = _cnt_eq_le(mid) >= n_eq
            return jnp.where(ok, lo, mid), jnp.where(ok, mid, hi)

        _, istar = lax.fori_loop(
            0, 15, _bsi, (jnp.full((16,), -1, jnp.int32),
                          jnp.full((16,), n_tok - 1, jnp.int32)))

        def _apply(j, carry):
            v = _load(j)
            idx = lanes + j * 16
            keep = jnp.logical_or(
                v > vstar, jnp.logical_and(v == vstar, idx <= istar))
            keep = jnp.logical_or(keep, no_drop)
            col_ref[pl.ds(j * 16, 16)] = jnp.where(
                keep, v, jnp.zeros((16,), jnp.float32))
            return carry

        lax.fori_loop(0, nv, _apply, jnp.int32(0))
        pltpu.sync_copy(col_ref, out_hbm.at[e])


def _sc_cap_call(disp_t, tpe_rows, n_tok, num_e, capacity):
    mesh = plsc.VectorSubcoreMesh(core_axis_name="c", subcore_axis_name="s")
    fn = pl.kernel(
        functools.partial(_sc_cap_body, capacity=capacity, n_tok=n_tok,
                          num_e=num_e),
        mesh=mesh,
        out_type=jax.ShapeDtypeStruct((num_e, n_tok), jnp.float32),
        scratch_types=[pltpu.VMEM((n_tok,), jnp.float32),
                       pltpu.VMEM((16,), jnp.float32),
                       pltpu.VMEM((32,), jnp.int32)],
    )
    return fn(disp_t, tpe_rows)


def kernel(hidden_states, router_w):
    b, s, d = hidden_states.shape
    num_e = router_w.shape[0]
    n_tok = b * s
    capacity = int(CAP_FACTOR * s * b / num_e)
    x = hidden_states.reshape(n_tok, d)

    probs, disp, _psum, tpe, loss = _route_call(x, router_w, n_tok, d, num_e)

    def _drop_path(dm, t):
        disp_t = _transpose_to_expert_major(dm, n_tok, num_e)
        tpe_rows = jnp.broadcast_to(t.reshape(num_e, 1), (num_e, 16))
        masked_t = _sc_cap_call(disp_t, tpe_rows, n_tok, num_e, capacity)
        return _transpose_to_token_major(masked_t, n_tok, num_e)

    any_over = jnp.any(tpe > jnp.float32(capacity))
    dropped = jax.lax.cond(any_over, _drop_path, lambda dm, t: dm, disp, tpe)

    d_out = dropped.reshape(b, s, num_e)
    return d_out, d_out, loss.reshape(()), probs.reshape(b, s, num_e)

# --- scband reference (transcript-rebuilt; emitter-appended) ---
"""Pipeline reference for scband-token-choice-routing-44117904065240 (READ-ONLY COPY).

The authoritative reference and input builder live on the scoring server;
editing this copy changes nothing except your own understanding.
"""

import jax, jax.numpy as jnp
import numpy as np

B, S, D = 4, 4096, 2048
E, K = 64, 8
CAP_FACTOR = 1.25
TEMP = 1.0
LB_W = 0.01


def setup_inputs(seed: int = 0) -> dict:
    key = jax.random.key(seed)
    k1, k2 = jax.random.split(key)
    hidden_states = jax.random.normal(k1, (B, S, D), dtype=jnp.float32)
    # nn.Linear(hidden_size, num_experts, bias=False), weight init normal std=0.02
    router_w = jax.random.normal(k2, (E, D), dtype=jnp.float32) * 0.02
    return {"hidden_states": hidden_states, "router_w": router_w}


def reference(hidden_states, router_w):
    # RouterNetwork: logits = x @ W^T (noise_epsilon=0.0 so no noise), / temperature, softmax
    router_logits = jnp.einsum('bsd,ed->bse', hidden_states, router_w) / TEMP
    router_probs = jax.nn.softmax(router_logits, axis=-1)

    # top-k expert selection + renormalize weights
    expert_weights, expert_indices = jax.lax.top_k(router_probs, K)
    expert_weights = expert_weights / jnp.sum(expert_weights, axis=-1, keepdims=True)

    # scatter weights into dense dispatch mask (topk indices are unique per token,
    # so scatter-set == sum of one-hot * weight)
    onehot = jax.nn.one_hot(expert_indices, E, dtype=jnp.float32)  # [B,S,K,E]
    dispatch_mask = jnp.sum(onehot * expert_weights[..., None], axis=2)  # [B,S,E]

    tokens_per_expert = jnp.sum(dispatch_mask, axis=(0, 1))  # [E]

    # load balancing loss (computed BEFORE capacity constraint, as in torch)
    num_tokens = B * S
    expert_fraction = tokens_per_expert / num_tokens
    mean_prob = jnp.mean(router_probs, axis=(0, 1))
    load_balancing_loss = num_tokens * jnp.sum(expert_fraction * mean_prob) * LB_W

    # capacity constraint (drop_tokens=True)
    capacity = int(CAP_FACTOR * S * B / E)
    flat = dispatch_mask.reshape(num_tokens, E)
    cols = []
    for e in range(E):
        col = flat[:, e]
        topv, topi = jax.lax.top_k(col, capacity)
        new_col = jnp.zeros_like(col).at[topi].set(col[topi])
        cols.append(jnp.where(tokens_per_expert[e] > capacity, new_col, col))
    dispatch_c = jnp.stack(cols, axis=1).reshape(B, S, E)

    return dispatch_c, dispatch_c, load_balancing_loss, router_probs

if __name__ == "__main__":
    import jax
    _d = setup_inputs()
    print(jax.jit(kernel)(*tuple(_d.values())))

</pallas_src>

<mosaic_0001>
#map = affine_map<(d0, d1) -> (0, 0)>
module attributes {stable_mosaic.version = 14 : i64} {
  func.func @_sc_cap_body(%arg0: i32, %arg1: i32, %arg2: memref<64x16384xf32, #tpu.memory_space<hbm>>, %arg3: memref<64x16xf32, #tpu.memory_space<hbm>>, %arg4: memref<64x16384xf32, #tpu.memory_space<hbm>>, %arg5: memref<16384xf32, #tpu.memory_space<vmem>>, %arg6: memref<16xf32, #tpu.memory_space<vmem>>, %arg7: memref<32xi32, #tpu.memory_space<vmem>>) attributes {dimension_semantics = [#tpu.dimension_semantics<core_parallel>, #tpu.dimension_semantics<subcore_parallel>], iteration_bounds = array<i64: 2, 16>, scalar_prefetch = 0 : i64, scratch_operands = 3 : i64, tpu.core_type = #tpu.core_type<sc_vector_subcore>, window_params = [{transform_indices = #map}, {transform_indices = #map}, {transform_indices = #map}]} {
    %mul3A = arith.constant 2 : i32
    %mul3A_0 = arith.muli %arg1, %mul3A : i32
    %add3A = arith.addi %mul3A_0, %arg0 : i32
    %iota3A = tpu.iota {dimensions = array<i32: 0>} : vector<16xi32>
    %broadcast_in_dim3A = arith.constant 1 : i32
    %broadcast_in_dim3A_1 = vector.broadcast %broadcast_in_dim3A : i32 to vector<16xi32>
    %broadcast_in_dim3A_2 = arith.constant 0 : i32
    %broadcast_in_dim3A_3 = vector.broadcast %broadcast_in_dim3A_2 : i32 to vector<16xi32>
    %mul3A_4 = arith.constant 2 : i32
    %mul3A_5 = arith.muli %add3A, %mul3A_4 : i32
    %add3A_6 = arith.constant 0 : i32
    %add3A_7 = arith.addi %mul3A_5, %add3A_6 : i32
    "tpu.region"() ({
      %run_scoped3A = tpu.sem_alloc : memref<!tpu.dma_semaphore, #tpu.memory_space<semaphore_mem>>
      %dma_start3A = arith.constant 0 : i32
      %dma_start3A_189 = tpu.memref_slice %arg2[%add3A_7, %dma_start3A] : memref<64x16384xf32, #tpu.memory_space<hbm>> -> memref<1x16384xf32, #tpu.memory_space<hbm>>
      %dma_start3A_190 = tpu.memref_squeeze %dma_start3A_189 : memref<1x16384xf32, #tpu.memory_space<hbm>> -> memref<16384xf32, #tpu.memory_space<hbm>>
      %dma_start3A_191 = arith.constant 0 : i32
      %dma_start3A_192 = tpu.memref_slice %arg2[%add3A_7, %dma_start3A_191] : memref<64x16384xf32, #tpu.memory_space<hbm>> -> memref<1x16384xf32, #tpu.memory_space<hbm>>
      %dma_start3A_193 = tpu.memref_squeeze %dma_start3A_192 : memref<1x16384xf32, #tpu.memory_space<hbm>> -> memref<16384xf32, #tpu.memory_space<hbm>>
      tpu.enqueue_dma source(%dma_start3A_193 : memref<16384xf32, #tpu.memory_space<hbm>>) target(%arg5 : memref<16384xf32, #tpu.memory_space<vmem>>) target_semaphore(%run_scoped3A : memref<!tpu.dma_semaphore, #tpu.memory_space<semaphore_mem>>)
      %dma_wait3A = arith.constant 0 : i32
      %dma_wait3A_194 = tpu.memref_slice %arg2[%add3A_7, %dma_wait3A] : memref<64x16384xf32, #tpu.memory_space<hbm>> -> memref<1x16384xf32, #tpu.memory_space<hbm>>
      %dma_wait3A_195 = tpu.memref_squeeze %dma_wait3A_194 : memref<1x16384xf32, #tpu.memory_space<hbm>> -> memref<16384xf32, #tpu.memory_space<hbm>>
      %dma_wait3A_196 = arith.constant 0 : i32
      %dma_wait3A_197 = tpu.memref_slice %arg2[%add3A_7, %dma_wait3A_196] : memref<64x16384xf32, #tpu.memory_space<hbm>> -> memref<1x16384xf32, #tpu.memory_space<hbm>>
      %dma_wait3A_198 = tpu.memref_squeeze %dma_wait3A_197 : memref<1x16384xf32, #tpu.memory_space<hbm>> -> memref<16384xf32, #tpu.memory_space<hbm>>
      tpu.wait_dma2 semaphore(%run_scoped3A : memref<!tpu.dma_semaphore, #tpu.memory_space<semaphore_mem>>) src(%dma_wait3A_198 : memref<16384xf32, #tpu.memory_space<hbm>>) dst(%arg5 : memref<16384xf32, #tpu.memory_space<vmem>>)
      tpu.yield
    }) : () -> ()
    "tpu.region"() ({
      %run_scoped3A = tpu.sem_alloc : memref<!tpu.dma_semaphore, #tpu.memory_space<semaphore_mem>>
      %dma_start3A = arith.constant 0 : i32
      %dma_start3A_189 = tpu.memref_slice %arg3[%add3A_7, %dma_start3A] : memref<64x16xf32, #tpu.memory_space<hbm>> -> memref<1x16xf32, #tpu.memory_space<hbm>>
      %dma_start3A_190 = tpu.memref_squeeze %dma_start3A_189 : memref<1x16xf32, #tpu.memory_space<hbm>> -> memref<16xf32, #tpu.memory_space<hbm>>
      %dma_start3A_191 = arith.constant 0 : i32
      %dma_start3A_192 = tpu.memref_slice %arg3[%add3A_7, %dma_start3A_191] : memref<64x16xf32, #tpu.memory_space<hbm>> -> memref<1x16xf32, #tpu.memory_space<hbm>>
      %dma_start3A_193 = tpu.memref_squeeze %dma_start3A_192 : memref<1x16xf32, #tpu.memory_space<hbm>> -> memref<16xf32, #tpu.memory_space<hbm>>
      tpu.enqueue_dma source(%dma_start3A_193 : memref<16xf32, #tpu.memory_space<hbm>>) target(%arg6 : memref<16xf32, #tpu.memory_space<vmem>>) target_semaphore(%run_scoped3A : memref<!tpu.dma_semaphore, #tpu.memory_space<semaphore_mem>>)
      %dma_wait3A = arith.constant 0 : i32
      %dma_wait3A_194 = tpu.memref_slice %arg3[%add3A_7, %dma_wait3A] : memref<64x16xf32, #tpu.memory_space<hbm>> -> memref<1x16xf32, #tpu.memory_space<hbm>>
      %dma_wait3A_195 = tpu.memref_squeeze %dma_wait3A_194 : memref<1x16xf32, #tpu.memory_space<hbm>> -> memref<16xf32, #tpu.memory_space<hbm>>
      %dma_wait3A_196 = arith.constant 0 : i32
      %dma_wait3A_197 = tpu.memref_slice %arg3[%add3A_7, %dma_wait3A_196] : memref<64x16xf32, #tpu.memory_space<hbm>> -> memref<1x16xf32, #tpu.memory_space<hbm>>
      %dma_wait3A_198 = tpu.memref_squeeze %dma_wait3A_197 : memref<1x16xf32, #tpu.memory_space<hbm>> -> memref<16xf32, #tpu.memory_space<hbm>>
      tpu.wait_dma2 semaphore(%run_scoped3A : memref<!tpu.dma_semaphore, #tpu.memory_space<semaphore_mem>>) src(%dma_wait3A_198 : memref<16xf32, #tpu.memory_space<hbm>>) dst(%arg6 : memref<16xf32, #tpu.memory_space<vmem>>)
      tpu.yield
    }) : () -> ()
    %get3A = arith.constant 0 : index
    %get3A_8 = tpu.vector_load %arg6[%get3A] {strides = array<i32>} : memref<16xf32, #tpu.memory_space<vmem>>, vector<16xf32>,
    %get3A_9 = vector.shape_cast %get3A_8 : vector<16xf32> to vector<16xf32>
    %le3A = arith.constant 3.200000e+02 : f32
    %le3A_10 = vector.broadcast %le3A : f32 to vector<16xf32>
    %le3A_11 = arith.cmpf ole, %get3A_9, %le3A_10 : vector<16xf32>
    %broadcast_in_dim3A_12 = arith.constant 320 : i32
    %broadcast_in_dim3A_13 = vector.broadcast %broadcast_in_dim3A_12 : i32 to vector<16xi32>
    %broadcast_in_dim3A_14 = arith.constant 5.000000e-01 : f32
    %broadcast_in_dim3A_15 = vector.broadcast %broadcast_in_dim3A_14 : f32 to vector<16xf32>
    %broadcast_in_dim3A_16 = arith.constant 0.000000e+00 : f32
    %broadcast_in_dim3A_17 = vector.broadcast %broadcast_in_dim3A_16 : f32 to vector<16xf32>
    %broadcast_in_dim3A_18 = arith.constant 1.001000e+00 : f32
    %broadcast_in_dim3A_19 = vector.broadcast %broadcast_in_dim3A_18 : f32 to vector<16xf32>
    %scan3A = arith.constant 0 : i32
    %scan3A_20 = arith.constant 48 : i32
    %scan3A_21 = arith.addi %scan3A, %scan3A_20 : i32
    %scan3A_22 = arith.constant 1 : i32
    %scan3A_23:2 = scf.for %scan3A_189 = %scan3A to %scan3A_21 step %scan3A_22 iter_args(%scan3A_190 = %broadcast_in_dim3A_17, %scan3A_191 = %broadcast_in_dim3A_19) -> (vector<16xf32>, vector<16xf32>)  : i32 {
      %add3A_192 = arith.addf %scan3A_190, %scan3A_191 : vector<16xf32>
      %mul3A_193 = arith.mulf %add3A_192, %broadcast_in_dim3A_15 : vector<16xf32>
      %scan3A_194 = arith.constant 0 : i32
      %scan3A_195 = arith.constant 1024 : i32
      %scan3A_196 = arith.addi %scan3A_194, %scan3A_195 : i32
      %scan3A_197 = arith.constant 1 : i32
      %scan3A_198 = scf.for %scan3A_249 = %scan3A_194 to %scan3A_196 step %scan3A_197 iter_args(%scan3A_250 = %broadcast_in_dim3A_3) -> (vector<16xi32>)  : i32 {
        %mul3A_251 = arith.constant 16 : i32
        %mul3A_252 = arith.muli %scan3A_249, %mul3A_251 : i32
        %get3A_253 = arith.index_cast %mul3A_252 : i32 to index
        %get3A_254 = tpu.vector_load %arg5[%get3A_253] {strides = array<i32>} : memref<16384xf32, #tpu.memory_space<vmem>>, vector<16xf32>,
        %get3A_255 = vector.shape_cast %get3A_254 : vector<16xf32> to vector<16xf32>
        %ge3A_256 = arith.cmpf oge, %get3A_255, %mul3A_193 : vector<16xf32>
        %select_n3A_257 = arith.select %ge3A_256, %broadcast_in_dim3A_1, %broadcast_in_dim3A_3 : vector<16xi1>, vector<16xi32>
        %add3A_258 = arith.addi %scan3A_250, %select_n3A_257 : vector<16xi32>
        scf.yield %add3A_258 : vector<16xi32>
      }
      %scan3A_199 = arith.constant 1024 : i32
      %swap3A_200 = arith.constant 0 : index
      %swap3A_201 = tpu.vector_load %arg7[%swap3A_200] {strides = array<i32>} : memref<32xi32, #tpu.memory_space<vmem>>, vector<16xi32>,
      %swap3A_202 = vector.shape_cast %swap3A_201 : vector<16xi32> to vector<16xi32>
      %swap3A_203 = vector.shape_cast %scan3A_198 : vector<16xi32> to vector<16xi32>
      tpu.vector_store %arg7[%swap3A_200], %swap3A_203 {strides = array<i32>} : memref<32xi32, #tpu.memory_space<vmem>>, vector<16xi32>,
      %swap3A_204 = arith.constant 16 : index
      %swap3A_205 = tpu.vector_load %arg7[%swap3A_204] {strides = array<i32>} : memref<32xi32, #tpu.memory_space<vmem>>, vector<16xi32>,
      %swap3A_206 = vector.shape_cast %swap3A_205 : vector<16xi32> to vector<16xi32>
      %swap3A_207 = vector.shape_cast %scan3A_198 : vector<16xi32> to vector<16xi32>
      tpu.vector_store %arg7[%swap3A_204], %swap3A_207 {strides = array<i32>} : memref<32xi32, #tpu.memory_space<vmem>>, vector<16xi32>,
      %get3A_208 = arith.constant 8 : index
      %get3A_209 = tpu.vector_load %arg7[%get3A_208] {strides = array<i32>} : memref<32xi32, #tpu.memory_space<vmem>>, vector<16xi32>,
      %get3A_210 = vector.shape_cast %get3A_209 : vector<16xi32> to vector<16xi32>
      %add3A_211 = arith.addi %scan3A_198, %get3A_210 : vector<16xi32>
      %swap3A_212 = arith.constant 0 : index
      %swap3A_213 = tpu.vector_load %arg7[%swap3A_212] {strides = array<i32>} : memref<32xi32, #tpu.memory_space<vmem>>, vector<16xi32>,
      %swap3A_214 = vector.shape_cast %swap3A_213 : vector<16xi32> to vector<16xi32>
      %swap3A_215 = vector.shape_cast %add3A_211 : vector<16xi32> to vector<16xi32>
      tpu.vector_store %arg7[%swap3A_212], %swap3A_215 {strides = array<i32>} : memref<32xi32, #tpu.memory_space<vmem>>, vector<16xi32>,
      %swap3A_216 = arith.constant 16 : index
      %swap3A_217 = tpu.vector_load %arg7[%swap3A_216] {strides = array<i32>} : memref<32xi32, #tpu.memory_space<vmem>>, vector<16xi32>,
      %swap3A_218 = vector.shape_cast %swap3A_217 : vector<16xi32> to vector<16xi32>
      %swap3A_219 = vector.shape_cast %add3A_211 : vector<16xi32> to vector<16xi32>
      tpu.vector_store %arg7[%swap3A_216], %swap3A_219 {strides = array<i32>} : memref<32xi32, #tpu.memory_space<vmem>>, vector<16xi32>,
      %get3A_220 = arith.constant 4 : index
      %get3A_221 = tpu.vector_load %arg7[%get3A_220] {strides = array<i32>} : memref<32xi32, #tpu.memory_space<vmem>>, vector<16xi32>,
      %get3A_222 = vector.shape_cast %get3A_221 : vector<16xi32> to vector<16xi32>
      %add3A_223 = arith.addi %add3A_211, %get3A_222 : vector<16xi32>
      %swap3A_224 = arith.constant 0 : index
      %swap3A_225 = tpu.vector_load %arg7[%swap3A_224] {strides = array<i32>} : memref<32xi32, #tpu.memory_space<vmem>>, vector<16xi32>,
      %swap3A_226 = vector.shape_cast %swap3A_225 : vector<16xi32> to vector<16xi32>
      %swap3A_227 = vector.shape_cast %add3A_223 : vector<16xi32> to vector<16xi32>
      tpu.vector_store %arg7[%swap3A_224], %swap3A_227 {strides = array<i32>} : memref<32xi32, #tpu.memory_space<vmem>>, vector<16xi32>,
      %swap3A_228 = arith.constant 16 : index
      %swap3A_229 = tpu.vector_load %arg7[%swap3A_228] {strides = array<i32>} : memref<32xi32, #tpu.memory_space<vmem>>, vector<16xi32>,
      %swap3A_230 = vector.shape_cast %swap3A_229 : vector<16xi32> to vector<16xi32>
      %swap3A_231 = vector.shape_cast %add3A_223 : vector<16xi32> to vector<16xi32>
      tpu.vector_store %arg7[%swap3A_228], %swap3A_231 {strides = array<i32>} : memref<32xi32, #tpu.memory_space<vmem>>, vector<16xi32>,
      %get3A_232 = arith.constant 2 : index
      %get3A_233 = tpu.vector_load %arg7[%get3A_232] {strides = array<i32>} : memref<32xi32, #tpu.memory_space<vmem>>, vector<16xi32>,
      %get3A_234 = vector.shape_cast %get3A_233 : vector<16xi32> to vector<16xi32>
      %add3A_235 = arith.addi %add3A_223, %get3A_234 : vector<16xi32>
      %swap3A_236 = arith.constant 0 : index
      %swap3A_237 = tpu.vector_load %arg7[%swap3A_236] {strides = array<i32>} : memref<32xi32, #tpu.memory_space<vmem>>, vector<16xi32>,
      %swap3A_238 = vector.shape_cast %swap3A_237 : vector<16xi32> to vector<16xi32>
      %swap3A_239 = vector.shape_cast %add3A_235 : vector<16xi32> to vector<16xi32>
      tpu.vector_store %arg7[%swap3A_236], %swap3A_239 {strides = array<i32>} : memref<32xi32, #tpu.memory_space<vmem>>, vector<16xi32>,
      %swap3A_240 = arith.constant 16 : index
      %swap3A_241 = tpu.vector_load %arg7[%swap3A_240] {strides = array<i32>} : memref<32xi32, #tpu.memory_space<vmem>>, vector<16xi32>,
      %swap3A_242 = vector.shape_cast %swap3A_241 : vector<16xi32> to vector<16xi32>
      %swap3A_243 = vector.shape_cast %add3A_235 : vector<16xi32> to vector<16xi32>
      tpu.vector_store %arg7[%swap3A_240], %swap3A_243 {strides = array<i32>} : memref<32xi32, #tpu.memory_space<vmem>>, vector<16xi32>,
      %get3A_244 = arith.constant 1 : index
      %get3A_245 = tpu.vector_load %arg7[%get3A_244] {strides = array<i32>} : memref<32xi32, #tpu.memory_space<vmem>>, vector<16xi32>,
      %get3A_246 = vector.shape_cast %get3A_245 : vector<16xi32> to vector<16xi32>
      %add3A_247 = arith.addi %add3A_235, %get3A_246 : vector<16xi32>
      %ge3A = arith.cmpi sge, %add3A_247, %broadcast_in_dim3A_13 : vector<16xi32>
      %select_n3A = arith.select %ge3A, %mul3A_193, %scan3A_190 : vector<16xi1>, vector<16xf32>
      %select_n3A_248 = arith.select %ge3A, %scan3A_191, %mul3A_193 : vector<16xi1>, vector<16xf32>
      scf.yield %select_n3A, %select_n3A_248 : vector<16xf32>, vector<16xf32>
    }
    %scan3A_24 = arith.constant 48 : i32
    %scan3A_25 = arith.constant 0 : i32
    %scan3A_26 = arith.constant 1024 : i32
    %scan3A_27 = arith.addi %scan3A_25, %scan3A_26 : i32
    %scan3A_28 = arith.constant 1 : i32
    %scan3A_29 = scf.for %scan3A_189 = %scan3A_25 to %scan3A_27 step %scan3A_28 iter_args(%scan3A_190 = %broadcast_in_dim3A_3) -> (vector<16xi32>)  : i32 {
      %mul3A_191 = arith.constant 16 : i32
      %mul3A_192 = arith.muli %scan3A_189, %mul3A_191 : i32
      %get3A_193 = arith.index_cast %mul3A_192 : i32 to index
      %get3A_194 = tpu.vector_load %arg5[%get3A_193] {strides = array<i32>} : memref<16384xf32, #tpu.memory_space<vmem>>, vector<16xf32>,
      %get3A_195 = vector.shape_cast %get3A_194 : vector<16xf32> to vector<16xf32>
      %gt3A = arith.cmpf ogt, %get3A_195, %scan3A_23#0 : vector<16xf32>
      %select_n3A = arith.select %gt3A, %broadcast_in_dim3A_1, %broadcast_in_dim3A_3 : vector<16xi1>, vector<16xi32>
      %add3A_196 = arith.addi %scan3A_190, %select_n3A : vector<16xi32>
      scf.yield %add3A_196 : vector<16xi32>
    }
    %scan3A_30 = arith.constant 1024 : i32
    %swap3A = arith.constant 0 : index
    %swap3A_31 = tpu.vector_load %arg7[%swap3A] {strides = array<i32>} : memref<32xi32, #tpu.memory_space<vmem>>, vector<16xi32>,
    %swap3A_32 = vector.shape_cast %swap3A_31 : vector<16xi32> to vector<16xi32>
    %swap3A_33 = vector.shape_cast %scan3A_29 : vector<16xi32> to vector<16xi32>
    tpu.vector_store %arg7[%swap3A], %swap3A_33 {strides = array<i32>} : memref<32xi32, #tpu.memory_space<vmem>>, vector<16xi32>,
    %swap3A_34 = arith.constant 16 : index
    %swap3A_35 = tpu.vector_load %arg7[%swap3A_34] {strides = array<i32>} : memref<32xi32, #tpu.memory_space<vmem>>, vector<16xi32>,
    %swap3A_36 = vector.shape_cast %swap3A_35 : vector<16xi32> to vector<16xi32>
    %swap3A_37 = vector.shape_cast %scan3A_29 : vector<16xi32> to vector<16xi32>
    tpu.vector_store %arg7[%swap3A_34], %swap3A_37 {strides = array<i32>} : memref<32xi32, #tpu.memory_space<vmem>>, vector<16xi32>,
    %get3A_38 = arith.constant 8 : index
    %get3A_39 = tpu.vector_load %arg7[%get3A_38] {strides = array<i32>} : memref<32xi32, #tpu.memory_space<vmem>>, vector<16xi32>,
    %get3A_40 = vector.shape_cast %get3A_39 : vector<16xi32> to vector<16xi32>
    %add3A_41 = arith.addi %scan3A_29, %get3A_40 : vector<16xi32>
    %swap3A_42 = arith.constant 0 : index
    %swap3A_43 = tpu.vector_load %arg7[%swap3A_42] {strides = array<i32>} : memref<32xi32, #tpu.memory_space<vmem>>, vector<16xi32>,
    %swap3A_44 = vector.shape_cast %swap3A_43 : vector<16xi32> to vector<16xi32>
    %swap3A_45 = vector.shape_cast %add3A_41 : vector<16xi32> to vector<16xi32>
    tpu.vector_store %arg7[%swap3A_42], %swap3A_45 {strides = array<i32>} : memref<32xi32, #tpu.memory_space<vmem>>, vector<16xi32>,
    %swap3A_46 = arith.constant 16 : index
    %swap3A_47 = tpu.vector_load %arg7[%swap3A_46] {strides = array<i32>} : memref<32xi32, #tpu.memory_space<vmem>>, vector<16xi32>,
    %swap3A_48 = vector.shape_cast %swap3A_47 : vector<16xi32> to vector<16xi32>
    %swap3A_49 = vector.shape_cast %add3A_41 : vector<16xi32> to vector<16xi32>
    tpu.vector_store %arg7[%swap3A_46], %swap3A_49 {strides = array<i32>} : memref<32xi32, #tpu.memory_space<vmem>>, vector<16xi32>,
    %get3A_50 = arith.constant 4 : index
    %get3A_51 = tpu.vector_load %arg7[%get3A_50] {strides = array<i32>} : memref<32xi32, #tpu.memory_space<vmem>>, vector<16xi32>,
    %get3A_52 = vector.shape_cast %get3A_51 : vector<16xi32> to vector<16xi32>
    %add3A_53 = arith.addi %add3A_41, %get3A_52 : vector<16xi32>
    %swap3A_54 = arith.constant 0 : index
    %swap3A_55 = tpu.vector_load %arg7[%swap3A_54] {strides = array<i32>} : memref<32xi32, #tpu.memory_space<vmem>>, vector<16xi32>,
    %swap3A_56 = vector.shape_cast %swap3A_55 : vector<16xi32> to vector<16xi32>
    %swap3A_57 = vector.shape_cast %add3A_53 : vector<16xi32> to vector<16xi32>
    tpu.vector_store %arg7[%swap3A_54], %swap3A_57 {strides = array<i32>} : memref<32xi32, #tpu.memory_space<vmem>>, vector<16xi32>,
    %swap3A_58 = arith.constant 16 : index
    %swap3A_59 = tpu.vector_load %arg7[%swap3A_58] {strides = array<i32>} : memref<32xi32, #tpu.memory_space<vmem>>, vector<16xi32>,
    %swap3A_60 = vector.shape_cast %swap3A_59 : vector<16xi32> to vector<16xi32>
    %swap3A_61 = vector.shape_cast %add3A_53 : vector<16xi32> to vector<16xi32>
    tpu.vector_store %arg7[%swap3A_58], %swap3A_61 {strides = array<i32>} : memref<32xi32, #tpu.memory_space<vmem>>, vector<16xi32>,
    %get3A_62 = arith.constant 2 : index
    %get3A_63 = tpu.vector_load %arg7[%get3A_62] {strides = array<i32>} : memref<32xi32, #tpu.memory_space<vmem>>, vector<16xi32>,
    %get3A_64 = vector.shape_cast %get3A_63 : vector<16xi32> to vector<16xi32>
    %add3A_65 = arith.addi %add3A_53, %get3A_64 : vector<16xi32>
    %swap3A_66 = arith.constant 0 : index
    %swap3A_67 = tpu.vector_load %arg7[%swap3A_66] {strides = array<i32>} : memref<32xi32, #tpu.memory_space<vmem>>, vector<16xi32>,
    %swap3A_68 = vector.shape_cast %swap3A_67 : vector<16xi32> to vector<16xi32>
    %swap3A_69 = vector.shape_cast %add3A_65 : vector<16xi32> to vector<16xi32>
    tpu.vector_store %arg7[%swap3A_66], %swap3A_69 {strides = array<i32>} : memref<32xi32, #tpu.memory_space<vmem>>, vector<16xi32>,
    %swap3A_70 = arith.constant 16 : index
    %swap3A_71 = tpu.vector_load %arg7[%swap3A_70] {strides = array<i32>} : memref<32xi32, #tpu.memory_space<vmem>>, vector<16xi32>,
    %swap3A_72 = vector.shape_cast %swap3A_71 : vector<16xi32> to vector<16xi32>
    %swap3A_73 = vector.shape_cast %add3A_65 : vector<16xi32> to vector<16xi32>
    tpu.vector_store %arg7[%swap3A_70], %swap3A_73 {strides = array<i32>} : memref<32xi32, #tpu.memory_space<vmem>>, vector<16xi32>,
    %get3A_74 = arith.constant 1 : index
    %get3A_75 = tpu.vector_load %arg7[%get3A_74] {strides = array<i32>} : memref<32xi32, #tpu.memory_space<vmem>>, vector<16xi32>,
    %get3A_76 = vector.shape_cast %get3A_75 : vector<16xi32> to vector<16xi32>
    %add3A_77 = arith.addi %add3A_65, %get3A_76 : vector<16xi32>
    %sub3A = arith.subi %broadcast_in_dim3A_13, %add3A_77 : vector<16xi32>
    %broadcast_in_dim3A_78 = arith.constant -1 : i32
    %broadcast_in_dim3A_79 = vector.broadcast %broadcast_in_dim3A_78 : i32 to vector<16xi32>
    %broadcast_in_dim3A_80 = arith.constant 16383 : i32
    %broadcast_in_dim3A_81 = vector.broadcast %broadcast_in_dim3A_80 : i32 to vector<16xi32>
    %scan3A_82 = arith.constant 0 : i32
    %scan3A_83 = arith.constant 15 : i32
    %scan3A_84 = arith.addi %scan3A_82, %scan3A_83 : i32
    %scan3A_85 = arith.constant 1 : i32
    %scan3A_86:2 = scf.for %scan3A_189 = %scan3A_82 to %scan3A_84 step %scan3A_85 iter_args(%scan3A_190 = %broadcast_in_dim3A_79, %scan3A_191 = %broadcast_in_dim3A_81) -> (vector<16xi32>, vector<16xi32>)  : i32 {
      %add3A_192 = arith.addi %scan3A_190, %scan3A_191 : vector<16xi32>
      %shift_right_arithmetic3A = arith.constant 1 : i32
      %shift_right_arithmetic3A_193 = vector.broadcast %shift_right_arithmetic3A : i32 to vector<16xi32>
      %shift_right_arithmetic3A_194 = arith.shrsi %add3A_192, %shift_right_arithmetic3A_193 : vector<16xi32>
      %scan3A_195 = arith.constant 0 : i32
      %scan3A_196 = arith.constant 1024 : i32
      %scan3A_197 = arith.addi %scan3A_195, %scan3A_196 : i32
      %scan3A_198 = arith.constant 1 : i32
      %scan3A_199 = scf.for %scan3A_250 = %scan3A_195 to %scan3A_197 step %scan3A_198 iter_args(%scan3A_251 = %broadcast_in_dim3A_3) -> (vector<16xi32>)  : i32 {
        %mul3A_252 = arith.constant 16 : i32
        %mul3A_253 = arith.muli %scan3A_250, %mul3A_252 : i32
        %get3A_254 = arith.index_cast %mul3A_253 : i32 to index
        %get3A_255 = tpu.vector_load %arg5[%get3A_254] {strides = array<i32>} : memref<16384xf32, #tpu.memory_space<vmem>>, vector<16xf32>,
        %get3A_256 = vector.shape_cast %get3A_255 : vector<16xf32> to vector<16xf32>
        %eq3A = arith.cmpf oeq, %get3A_256, %scan3A_23#0 : vector<16xf32>
        %mul3A_257 = arith.constant 16 : i32
        %mul3A_258 = arith.muli %scan3A_250, %mul3A_257 : i32
        %add3A_259 = vector.broadcast %mul3A_258 : i32 to vector<16xi32>
        %add3A_260 = arith.addi %iota3A, %add3A_259 : vector<16xi32>
        %le3A_261 = arith.cmpi sle, %add3A_260, %shift_right_arithmetic3A_194 : vector<16xi32>
        %and3A = arith.andi %eq3A, %le3A_261 : vector<16xi1>
        %select_n3A_262 = arith.select %and3A, %broadcast_in_dim3A_1, %broadcast_in_dim3A_3 : vector<16xi1>, vector<16xi32>
        %add3A_263 = arith.addi %scan3A_251, %select_n3A_262 : vector<16xi32>
        scf.yield %add3A_263 : vector<16xi32>
      }
      %scan3A_200 = arith.constant 1024 : i32
      %swap3A_201 = arith.constant 0 : index
      %swap3A_202 = tpu.vector_load %arg7[%swap3A_201] {strides = array<i32>} : memref<32xi32, #tpu.memory_space<vmem>>, vector<16xi32>,
      %swap3A_203 = vector.shape_cast %swap3A_202 : vector<16xi32> to vector<16xi32>
      %swap3A_204 = vector.shape_cast %scan3A_199 : vector<16xi32> to vector<16xi32>
      tpu.vector_store %arg7[%swap3A_201], %swap3A_204 {strides = array<i32>} : memref<32xi32, #tpu.memory_space<vmem>>, vector<16xi32>,
      %swap3A_205 = arith.constant 16 : index
      %swap3A_206 = tpu.vector_load %arg7[%swap3A_205] {strides = array<i32>} : memref<32xi32, #tpu.memory_space<vmem>>, vector<16xi32>,
      %swap3A_207 = vector.shape_cast %swap3A_206 : vector<16xi32> to vector<16xi32>
      %swap3A_208 = vector.shape_cast %scan3A_199 : vector<16xi32> to vector<16xi32>
      tpu.vector_store %arg7[%swap3A_205], %swap3A_208 {strides = array<i32>} : memref<32xi32, #tpu.memory_space<vmem>>, vector<16xi32>,
      %get3A_209 = arith.constant 8 : index
      %get3A_210 = tpu.vector_load %arg7[%get3A_209] {strides = array<i32>} : memref<32xi32, #tpu.memory_space<vmem>>, vector<16xi32>,
      %get3A_211 = vector.shape_cast %get3A_210 : vector<16xi32> to vector<16xi32>
      %add3A_212 = arith.addi %scan3A_199, %get3A_211 : vector<16xi32>
      %swap3A_213 = arith.constant 0 : index
      %swap3A_214 = tpu.vector_load %arg7[%swap3A_213] {strides = array<i32>} : memref<32xi32, #tpu.memory_space<vmem>>, vector<16xi32>,
      %swap3A_215 = vector.shape_cast %swap3A_214 : vector<16xi32> to vector<16xi32>
      %swap3A_216 = vector.shape_cast %add3A_212 : vector<16xi32> to vector<16xi32>
      tpu.vector_store %arg7[%swap3A_213], %swap3A_216 {strides = array<i32>} : memref<32xi32, #tpu.memory_space<vmem>>, vector<16xi32>,
      %swap3A_217 = arith.constant 16 : index
      %swap3A_218 = tpu.vector_load %arg7[%swap3A_217] {strides = array<i32>} : memref<32xi32, #tpu.memory_space<vmem>>, vector<16xi32>,
      %swap3A_219 = vector.shape_cast %swap3A_218 : vector<16xi32> to vector<16xi32>
      %swap3A_220 = vector.shape_cast %add3A_212 : vector<16xi32> to vector<16xi32>
      tpu.vector_store %arg7[%swap3A_217], %swap3A_220 {strides = array<i32>} : memref<32xi32, #tpu.memory_space<vmem>>, vector<16xi32>,
      %get3A_221 = arith.constant 4 : index
      %get3A_222 = tpu.vector_load %arg7[%get3A_221] {strides = array<i32>} : memref<32xi32, #tpu.memory_space<vmem>>, vector<16xi32>,
      %get3A_223 = vector.shape_cast %get3A_222 : vector<16xi32> to vector<16xi32>
      %add3A_224 = arith.addi %add3A_212, %get3A_223 : vector<16xi32>
      %swap3A_225 = arith.constant 0 : index
      %swap3A_226 = tpu.vector_load %arg7[%swap3A_225] {strides = array<i32>} : memref<32xi32, #tpu.memory_space<vmem>>, vector<16xi32>,
      %swap3A_227 = vector.shape_cast %swap3A_226 : vector<16xi32> to vector<16xi32>
      %swap3A_228 = vector.shape_cast %add3A_224 : vector<16xi32> to vector<16xi32>
      tpu.vector_store %arg7[%swap3A_225], %swap3A_228 {strides = array<i32>} : memref<32xi32, #tpu.memory_space<vmem>>, vector<16xi32>,
      %swap3A_229 = arith.constant 16 : index
      %swap3A_230 = tpu.vector_load %arg7[%swap3A_229] {strides = array<i32>} : memref<32xi32, #tpu.memory_space<vmem>>, vector<16xi32>,
      %swap3A_231 = vector.shape_cast %swap3A_230 : vector<16xi32> to vector<16xi32>
      %swap3A_232 = vector.shape_cast %add3A_224 : vector<16xi32> to vector<16xi32>
      tpu.vector_store %arg7[%swap3A_229], %swap3A_232 {strides = array<i32>} : memref<32xi32, #tpu.memory_space<vmem>>, vector<16xi32>,
      %get3A_233 = arith.constant 2 : index
      %get3A_234 = tpu.vector_load %arg7[%get3A_233] {strides = array<i32>} : memref<32xi32, #tpu.memory_space<vmem>>, vector<16xi32>,
      %get3A_235 = vector.shape_cast %get3A_234 : vector<16xi32> to vector<16xi32>
      %add3A_236 = arith.addi %add3A_224, %get3A_235 : vector<16xi32>
      %swap3A_237 = arith.constant 0 : index
      %swap3A_238 = tpu.vector_load %arg7[%swap3A_237] {strides = array<i32>} : memref<32xi32, #tpu.memory_space<vmem>>, vector<16xi32>,
      %swap3A_239 = vector.shape_cast %swap3A_238 : vector<16xi32> to vector<16xi32>
      %swap3A_240 = vector.shape_cast %add3A_236 : vector<16xi32> to vector<16xi32>
      tpu.vector_store %arg7[%swap3A_237], %swap3A_240 {strides = array<i32>} : memref<32xi32, #tpu.memory_space<vmem>>, vector<16xi32>,
      %swap3A_241 = arith.constant 16 : index
      %swap3A_242 = tpu.vector_load %arg7[%swap3A_241] {strides = array<i32>} : memref<32xi32, #tpu.memory_space<vmem>>, vector<16xi32>,
      %swap3A_243 = vector.shape_cast %swap3A_242 : vector<16xi32> to vector<16xi32>
      %swap3A_244 = vector.shape_cast %add3A_236 : vector<16xi32> to vector<16xi32>
      tpu.vector_store %arg7[%swap3A_241], %swap3A_244 {strides = array<i32>} : memref<32xi32, #tpu.memory_space<vmem>>, vector<16xi32>,
      %get3A_245 = arith.constant 1 : index
      %get3A_246 = tpu.vector_load %arg7[%get3A_245] {strides = array<i32>} : memref<32xi32, #tpu.memory_space<vmem>>, vector<16xi32>,
      %get3A_247 = vector.shape_cast %get3A_246 : vector<16xi32> to vector<16xi32>
      %add3A_248 = arith.addi %add3A_236, %get3A_247 : vector<16xi32>
      %ge3A = arith.cmpi sge, %add3A_248, %sub3A : vector<16xi32>
      %select_n3A = arith.select %ge3A, %scan3A_190, %shift_right_arithmetic3A_194 : vector<16xi1>, vector<16xi32>
      %select_n3A_249 = arith.select %ge3A, %shift_right_arithmetic3A_194, %scan3A_191 : vector<16xi1>, vector<16xi32>
      scf.yield %select_n3A, %select_n3A_249 : vector<16xi32>, vector<16xi32>
    }
    %scan3A_87 = arith.constant 15 : i32
    %scan3A_88 = arith.constant 0 : i32
    %scan3A_89 = arith.constant 0 : i32
    %scan3A_90 = arith.constant 1024 : i32
    %scan3A_91 = arith.addi %scan3A_89, %scan3A_90 : i32
    %scan3A_92 = arith.constant 1 : i32
    scf.for %scan3A_189 = %scan3A_89 to %scan3A_91 step %scan3A_92  : i32 {
      %mul3A_190 = arith.constant 16 : i32
      %mul3A_191 = arith.muli %scan3A_189, %mul3A_190 : i32
      %get3A_192 = arith.index_cast %mul3A_191 : i32 to index
      %get3A_193 = tpu.vector_load %arg5[%get3A_192] {strides = array<i32>} : memref<16384xf32, #tpu.memory_space<vmem>>, vector<16xf32>,
      %get3A_194 = vector.shape_cast %get3A_193 : vector<16xf32> to vector<16xf32>
      %mul3A_195 = arith.constant 16 : i32
      %mul3A_196 = arith.muli %scan3A_189, %mul3A_195 : i32
      %add3A_197 = vector.broadcast %mul3A_196 : i32 to vector<16xi32>
      %add3A_198 = arith.addi %iota3A, %add3A_197 : vector<16xi32>
      %gt3A = arith.cmpf ogt, %get3A_194, %scan3A_23#0 : vector<16xf32>
      %eq3A = arith.cmpf oeq, %get3A_194, %scan3A_23#0 : vector<16xf32>
      %le3A_199 = arith.cmpi sle, %add3A_198, %scan3A_86#1 : vector<16xi32>
      %and3A = arith.andi %eq3A, %le3A_199 : vector<16xi1>
      %or3A = arith.ori %gt3A, %and3A : vector<16xi1>
      %or3A_200 = arith.ori %or3A, %le3A_11 : vector<16xi1>
      %broadcast_in_dim3A_201 = arith.constant 0.000000e+00 : f32
      %broadcast_in_dim3A_202 = vector.broadcast %broadcast_in_dim3A_201 : f32 to vector<16xf32>
      %select_n3A = arith.select %or3A_200, %get3A_194, %broadcast_in_dim3A_202 : vector<16xi1>, vector<16xf32>
      %mul3A_203 = arith.constant 16 : i32
      %mul3A_204 = arith.muli %scan3A_189, %mul3A_203 : i32
      %swap3A_205 = arith.index_cast %mul3A_204 : i32 to index
      %swap3A_206 = tpu.vector_load %arg5[%swap3A_205] {strides = array<i32>} : memref<16384xf32, #tpu.memory_space<vmem>>, vector<16xf32>,
      %swap3A_207 = vector.shape_cast %swap3A_206 : vector<16xf32> to vector<16xf32>
      %swap3A_208 = vector.shape_cast %select_n3A : vector<16xf32> to vector<16xf32>
      tpu.vector_store %arg5[%swap3A_205], %swap3A_208 {strides = array<i32>} : memref<16384xf32, #tpu.memory_space<vmem>>, vector<16xf32>,
    }
    %scan3A_93 = arith.constant 1024 : i32
    "tpu.region"() ({
      %run_scoped3A = tpu.sem_alloc : memref<!tpu.dma_semaphore, #tpu.memory_space<semaphore_mem>>
      %dma_start3A = arith.constant 0 : i32
      %dma_start3A_189 = tpu.memref_slice %arg4[%add3A_7, %dma_start3A] : memref<64x16384xf32, #tpu.memory_space<hbm>> -> memref<1x16384xf32, #tpu.memory_space<hbm>>
      %dma_start3A_190 = tpu.memref_squeeze %dma_start3A_189 : memref<1x16384xf32, #tpu.memory_space<hbm>> -> memref<16384xf32, #tpu.memory_space<hbm>>
      %dma_start3A_191 = arith.constant 0 : i32
      %dma_start3A_192 = tpu.memref_slice %arg4[%add3A_7, %dma_start3A_191] : memref<64x16384xf32, #tpu.memory_space<hbm>> -> memref<1x16384xf32, #tpu.memory_space<hbm>>
      %dma_start3A_193 = tpu.memref_squeeze %dma_start3A_192 : memref<1x16384xf32, #tpu.memory_space<hbm>> -> memref<16384xf32, #tpu.memory_space<hbm>>
      tpu.enqueue_dma source(%arg5 : memref<16384xf32, #tpu.memory_space<vmem>>) target(%dma_start3A_193 : memref<16384xf32, #tpu.memory_space<hbm>>) target_semaphore(%run_scoped3A : memref<!tpu.dma_semaphore, #tpu.memory_space<semaphore_mem>>)
      %dma_wait3A = arith.constant 0 : i32
      %dma_wait3A_194 = tpu.memref_slice %arg4[%add3A_7, %dma_wait3A] : memref<64x16384xf32, #tpu.memory_space<hbm>> -> memref<1x16384xf32, #tpu.memory_space<hbm>>
      %dma_wait3A_195 = tpu.memref_squeeze %dma_wait3A_194 : memref<1x16384xf32, #tpu.memory_space<hbm>> -> memref<16384xf32, #tpu.memory_space<hbm>>
      %dma_wait3A_196 = arith.constant 0 : i32
      %dma_wait3A_197 = tpu.memref_slice %arg4[%add3A_7, %dma_wait3A_196] : memref<64x16384xf32, #tpu.memory_space<hbm>> -> memref<1x16384xf32, #tpu.memory_space<hbm>>
      %dma_wait3A_198 = tpu.memref_squeeze %dma_wait3A_197 : memref<1x16384xf32, #tpu.memory_space<hbm>> -> memref<16384xf32, #tpu.memory_space<hbm>>
      tpu.wait_dma2 semaphore(%run_scoped3A : memref<!tpu.dma_semaphore, #tpu.memory_space<semaphore_mem>>) src(%arg5 : memref<16384xf32, #tpu.memory_space<vmem>>) dst(%dma_wait3A_198 : memref<16384xf32, #tpu.memory_space<hbm>>)
      tpu.yield
    }) : () -> ()
    %mul3A_94 = arith.constant 2 : i32
    %mul3A_95 = arith.muli %add3A, %mul3A_94 : i32
    %add3A_96 = arith.constant 1 : i32
    %add3A_97 = arith.addi %mul3A_95, %add3A_96 : i32
    "tpu.region"() ({
      %run_scoped3A = tpu.sem_alloc : memref<!tpu.dma_semaphore, #tpu.memory_space<semaphore_mem>>
      %dma_start3A = arith.constant 0 : i32
      %dma_start3A_189 = tpu.memref_slice %arg2[%add3A_97, %dma_start3A] : memref<64x16384xf32, #tpu.memory_space<hbm>> -> memref<1x16384xf32, #tpu.memory_space<hbm>>
      %dma_start3A_190 = tpu.memref_squeeze %dma_start3A_189 : memref<1x16384xf32, #tpu.memory_space<hbm>> -> memref<16384xf32, #tpu.memory_space<hbm>>
      %dma_start3A_191 = arith.constant 0 : i32
      %dma_start3A_192 = tpu.memref_slice %arg2[%add3A_97, %dma_start3A_191] : memref<64x16384xf32, #tpu.memory_space<hbm>> -> memref<1x16384xf32, #tpu.memory_space<hbm>>
      %dma_start3A_193 = tpu.memref_squeeze %dma_start3A_192 : memref<1x16384xf32, #tpu.memory_space<hbm>> -> memref<16384xf32, #tpu.memory_space<hbm>>
      tpu.enqueue_dma source(%dma_start3A_193 : memref<16384xf32, #tpu.memory_space<hbm>>) target(%arg5 : memref<16384xf32, #tpu.memory_space<vmem>>) target_semaphore(%run_scoped3A : memref<!tpu.dma_semaphore, #tpu.memory_space<semaphore_mem>>)
      %dma_wait3A = arith.constant 0 : i32
      %dma_wait3A_194 = tpu.memref_slice %arg2[%add3A_97, %dma_wait3A] : memref<64x16384xf32, #tpu.memory_space<hbm>> -> memref<1x16384xf32, #tpu.memory_space<hbm>>
      %dma_wait3A_195 = tpu.memref_squeeze %dma_wait3A_194 : memref<1x16384xf32, #tpu.memory_space<hbm>> -> memref<16384xf32, #tpu.memory_space<hbm>>
      %dma_wait3A_196 = arith.constant 0 : i32
      %dma_wait3A_197 = tpu.memref_slice %arg2[%add3A_97, %dma_wait3A_196] : memref<64x16384xf32, #tpu.memory_space<hbm>> -> memref<1x16384xf32, #tpu.memory_space<hbm>>
      %dma_wait3A_198 = tpu.memref_squeeze %dma_wait3A_197 : memref<1x16384xf32, #tpu.memory_space<hbm>> -> memref<16384xf32, #tpu.memory_space<hbm>>
      tpu.wait_dma2 semaphore(%run_scoped3A : memref<!tpu.dma_semaphore, #tpu.memory_space<semaphore_mem>>) src(%dma_wait3A_198 : memref<16384xf32, #tpu.memory_space<hbm>>) dst(%arg5 : memref<16384xf32, #tpu.memory_space<vmem>>)
      tpu.yield
    }) : () -> ()
    "tpu.region"() ({
      %run_scoped3A = tpu.sem_alloc : memref<!tpu.dma_semaphore, #tpu.memory_space<semaphore_mem>>
      %dma_start3A = arith.constant 0 : i32
      %dma_start3A_189 = tpu.memref_slice %arg3[%add3A_97, %dma_start3A] : memref<64x16xf32, #tpu.memory_space<hbm>> -> memref<1x16xf32, #tpu.memory_space<hbm>>
      %dma_start3A_190 = tpu.memref_squeeze %dma_start3A_189 : memref<1x16xf32, #tpu.memory_space<hbm>> -> memref<16xf32, #tpu.memory_space<hbm>>
      %dma_start3A_191 = arith.constant 0 : i32
      %dma_start3A_192 = tpu.memref_slice %arg3[%add3A_97, %dma_start3A_191] : memref<64x16xf32, #tpu.memory_space<hbm>> -> memref<1x16xf32, #tpu.memory_space<hbm>>
      %dma_start3A_193 = tpu.memref_squeeze %dma_start3A_192 : memref<1x16xf32, #tpu.memory_space<hbm>> -> memref<16xf32, #tpu.memory_space<hbm>>
      tpu.enqueue_dma source(%dma_start3A_193 : memref<16xf32, #tpu.memory_space<hbm>>) target(%arg6 : memref<16xf32, #tpu.memory_space<vmem>>) target_semaphore(%run_scoped3A : memref<!tpu.dma_semaphore, #tpu.memory_space<semaphore_mem>>)
      %dma_wait3A = arith.constant 0 : i32
      %dma_wait3A_194 = tpu.memref_slice %arg3[%add3A_97, %dma_wait3A] : memref<64x16xf32, #tpu.memory_space<hbm>> -> memref<1x16xf32, #tpu.memory_space<hbm>>
      %dma_wait3A_195 = tpu.memref_squeeze %dma_wait3A_194 : memref<1x16xf32, #tpu.memory_space<hbm>> -> memref<16xf32, #tpu.memory_space<hbm>>
      %dma_wait3A_196 = arith.constant 0 : i32
      %dma_wait3A_197 = tpu.memref_slice %arg3[%add3A_97, %dma_wait3A_196] : memref<64x16xf32, #tpu.memory_space<hbm>> -> memref<1x16xf32, #tpu.memory_space<hbm>>
      %dma_wait3A_198 = tpu.memref_squeeze %dma_wait3A_197 : memref<1x16xf32, #tpu.memory_space<hbm>> -> memref<16xf32, #tpu.memory_space<hbm>>
      tpu.wait_dma2 semaphore(%run_scoped3A : memref<!tpu.dma_semaphore, #tpu.memory_space<semaphore_mem>>) src(%dma_wait3A_198 : memref<16xf32, #tpu.memory_space<hbm>>) dst(%arg6 : memref<16xf32, #tpu.memory_space<vmem>>)
      tpu.yield
    }) : () -> ()
    %get3A_98 = arith.constant 0 : index
    %get3A_99 = tpu.vector_load %arg6[%get3A_98] {strides = array<i32>} : memref<16xf32, #tpu.memory_space<vmem>>, vector<16xf32>,
    %get3A_100 = vector.shape_cast %get3A_99 : vector<16xf32> to vector<16xf32>
    %le3A_101 = arith.constant 3.200000e+02 : f32
    %le3A_102 = vector.broadcast %le3A_101 : f32 to vector<16xf32>
    %le3A_103 = arith.cmpf ole, %get3A_100, %le3A_102 : vector<16xf32>
    %broadcast_in_dim3A_104 = arith.constant 320 : i32
    %broadcast_in_dim3A_105 = vector.broadcast %broadcast_in_dim3A_104 : i32 to vector<16xi32>
    %broadcast_in_dim3A_106 = arith.constant 5.000000e-01 : f32
    %broadcast_in_dim3A_107 = vector.broadcast %broadcast_in_dim3A_106 : f32 to vector<16xf32>
    %broadcast_in_dim3A_108 = arith.constant 0.000000e+00 : f32
    %broadcast_in_dim3A_109 = vector.broadcast %broadcast_in_dim3A_108 : f32 to vector<16xf32>
    %broadcast_in_dim3A_110 = arith.constant 1.001000e+00 : f32
    %broadcast_in_dim3A_111 = vector.broadcast %broadcast_in_dim3A_110 : f32 to vector<16xf32>
    %scan3A_112 = arith.constant 0 : i32
    %scan3A_113 = arith.constant 48 : i32
    %scan3A_114 = arith.addi %scan3A_112, %scan3A_113 : i32
    %scan3A_115 = arith.constant 1 : i32
    %scan3A_116:2 = scf.for %scan3A_189 = %scan3A_112 to %scan3A_114 step %scan3A_115 iter_args(%scan3A_190 = %broadcast_in_dim3A_109, %scan3A_191 = %broadcast_in_dim3A_111) -> (vector<16xf32>, vector<16xf32>)  : i32 {
      %add3A_192 = arith.addf %scan3A_190, %scan3A_191 : vector<16xf32>
      %mul3A_193 = arith.mulf %add3A_192, %broadcast_in_dim3A_107 : vector<16xf32>
      %scan3A_194 = arith.constant 0 : i32
      %scan3A_195 = arith.constant 1024 : i32
      %scan3A_196 = arith.addi %scan3A_194, %scan3A_195 : i32
      %scan3A_197 = arith.constant 1 : i32
      %scan3A_198 = scf.for %scan3A_249 = %scan3A_194 to %scan3A_196 step %scan3A_197 iter_args(%scan3A_250 = %broadcast_in_dim3A_3) -> (vector<16xi32>)  : i32 {
        %mul3A_251 = arith.constant 16 : i32
        %mul3A_252 = arith.muli %scan3A_249, %mul3A_251 : i32
        %get3A_253 = arith.index_cast %mul3A_252 : i32 to index
        %get3A_254 = tpu.vector_load %arg5[%get3A_253] {strides = array<i32>} : memref<16384xf32, #tpu.memory_space<vmem>>, vector<16xf32>,
        %get3A_255 = vector.shape_cast %get3A_254 : vector<16xf32> to vector<16xf32>
        %ge3A_256 = arith.cmpf oge, %get3A_255, %mul3A_193 : vector<16xf32>
        %select_n3A_257 = arith.select %ge3A_256, %broadcast_in_dim3A_1, %broadcast_in_dim3A_3 : vector<16xi1>, vector<16xi32>
        %add3A_258 = arith.addi %scan3A_250, %select_n3A_257 : vector<16xi32>
        scf.yield %add3A_258 : vector<16xi32>
      }
      %scan3A_199 = arith.constant 1024 : i32
      %swap3A_200 = arith.constant 0 : index
      %swap3A_201 = tpu.vector_load %arg7[%swap3A_200] {strides = array<i32>} : memref<32xi32, #tpu.memory_space<vmem>>, vector<16xi32>,
      %swap3A_202 = vector.shape_cast %swap3A_201 : vector<16xi32> to vector<16xi32>
      %swap3A_203 = vector.shape_cast %scan3A_198 : vector<16xi32> to vector<16xi32>
      tpu.vector_store %arg7[%swap3A_200], %swap3A_203 {strides = array<i32>} : memref<32xi32, #tpu.memory_space<vmem>>, vector<16xi32>,
      %swap3A_204 = arith.constant 16 : index
      %swap3A_205 = tpu.vector_load %arg7[%swap3A_204] {strides = array<i32>} : memref<32xi32, #tpu.memory_space<vmem>>, vector<16xi32>,
      %swap3A_206 = vector.shape_cast %swap3A_205 : vector<16xi32> to vector<16xi32>
      %swap3A_207 = vector.shape_cast %scan3A_198 : vector<16xi32> to vector<16xi32>
      tpu.vector_store %arg7[%swap3A_204], %swap3A_207 {strides = array<i32>} : memref<32xi32, #tpu.memory_space<vmem>>, vector<16xi32>,
      %get3A_208 = arith.constant 8 : index
      %get3A_209 = tpu.vector_load %arg7[%get3A_208] {strides = array<i32>} : memref<32xi32, #tpu.memory_space<vmem>>, vector<16xi32>,
      %get3A_210 = vector.shape_cast %get3A_209 : vector<16xi32> to vector<16xi32>
      %add3A_211 = arith.addi %scan3A_198, %get3A_210 : vector<16xi32>
      %swap3A_212 = arith.constant 0 : index
      %swap3A_213 = tpu.vector_load %arg7[%swap3A_212] {strides = array<i32>} : memref<32xi32, #tpu.memory_space<vmem>>, vector<16xi32>,
      %swap3A_214 = vector.shape_cast %swap3A_213 : vector<16xi32> to vector<16xi32>
      %swap3A_215 = vector.shape_cast %add3A_211 : vector<16xi32> to vector<16xi32>
      tpu.vector_store %arg7[%swap3A_212], %swap3A_215 {strides = array<i32>} : memref<32xi32, #tpu.memory_space<vmem>>, vector<16xi32>,
      %swap3A_216 = arith.constant 16 : index
      %swap3A_217 = tpu.vector_load %arg7[%swap3A_216] {strides = array<i32>} : memref<32xi32, #tpu.memory_space<vmem>>, vector<16xi32>,
      %swap3A_218 = vector.shape_cast %swap3A_217 : vector<16xi32> to vector<16xi32>
      %swap3A_219 = vector.shape_cast %add3A_211 : vector<16xi32> to vector<16xi32>
      tpu.vector_store %arg7[%swap3A_216], %swap3A_219 {strides = array<i32>} : memref<32xi32, #tpu.memory_space<vmem>>, vector<16xi32>,
      %get3A_220 = arith.constant 4 : index
      %get3A_221 = tpu.vector_load %arg7[%get3A_220] {strides = array<i32>} : memref<32xi32, #tpu.memory_space<vmem>>, vector<16xi32>,
      %get3A_222 = vector.shape_cast %get3A_221 : vector<16xi32> to vector<16xi32>
      %add3A_223 = arith.addi %add3A_211, %get3A_222 : vector<16xi32>
      %swap3A_224 = arith.constant 0 : index
      %swap3A_225 = tpu.vector_load %arg7[%swap3A_224] {strides = array<i32>} : memref<32xi32, #tpu.memory_space<vmem>>, vector<16xi32>,
      %swap3A_226 = vector.shape_cast %swap3A_225 : vector<16xi32> to vector<16xi32>
      %swap3A_227 = vector.shape_cast %add3A_223 : vector<16xi32> to vector<16xi32>
      tpu.vector_store %arg7[%swap3A_224], %swap3A_227 {strides = array<i32>} : memref<32xi32, #tpu.memory_space<vmem>>, vector<16xi32>,
      %swap3A_228 = arith.constant 16 : index
      %swap3A_229 = tpu.vector_load %arg7[%swap3A_228] {strides = array<i32>} : memref<32xi32, #tpu.memory_space<vmem>>, vector<16xi32>,
      %swap3A_230 = vector.shape_cast %swap3A_229 : vector<16xi32> to vector<16xi32>
      %swap3A_231 = vector.shape_cast %add3A_223 : vector<16xi32> to vector<16xi32>
      tpu.vector_store %arg7[%swap3A_228], %swap3A_231 {strides = array<i32>} : memref<32xi32, #tpu.memory_space<vmem>>, vector<16xi32>,
      %get3A_232 = arith.constant 2 : index
      %get3A_233 = tpu.vector_load %arg7[%get3A_232] {strides = array<i32>} : memref<32xi32, #tpu.memory_space<vmem>>, vector<16xi32>,
      %get3A_234 = vector.shape_cast %get3A_233 : vector<16xi32> to vector<16xi32>
      %add3A_235 = arith.addi %add3A_223, %get3A_234 : vector<16xi32>
      %swap3A_236 = arith.constant 0 : index
      %swap3A_237 = tpu.vector_load %arg7[%swap3A_236] {strides = array<i32>} : memref<32xi32, #tpu.memory_space<vmem>>, vector<16xi32>,
      %swap3A_238 = vector.shape_cast %swap3A_237 : vector<16xi32> to vector<16xi32>
      %swap3A_239 = vector.shape_cast %add3A_235 : vector<16xi32> to vector<16xi32>
      tpu.vector_store %arg7[%swap3A_236], %swap3A_239 {strides = array<i32>} : memref<32xi32, #tpu.memory_space<vmem>>, vector<16xi32>,
      %swap3A_240 = arith.constant 16 : index
      %swap3A_241 = tpu.vector_load %arg7[%swap3A_240] {strides = array<i32>} : memref<32xi32, #tpu.memory_space<vmem>>, vector<16xi32>,
      %swap3A_242 = vector.shape_cast %swap3A_241 : vector<16xi32> to vector<16xi32>
      %swap3A_243 = vector.shape_cast %add3A_235 : vector<16xi32> to vector<16xi32>
      tpu.vector_store %arg7[%swap3A_240], %swap3A_243 {strides = array<i32>} : memref<32xi32, #tpu.memory_space<vmem>>, vector<16xi32>,
      %get3A_244 = arith.constant 1 : index
      %get3A_245 = tpu.vector_load %arg7[%get3A_244] {strides = array<i32>} : memref<32xi32, #tpu.memory_space<vmem>>, vector<16xi32>,
      %get3A_246 = vector.shape_cast %get3A_245 : vector<16xi32> to vector<16xi32>
      %add3A_247 = arith.addi %add3A_235, %get3A_246 : vector<16xi32>
      %ge3A = arith.cmpi sge, %add3A_247, %broadcast_in_dim3A_105 : vector<16xi32>
      %select_n3A = arith.select %ge3A, %mul3A_193, %scan3A_190 : vector<16xi1>, vector<16xf32>
      %select_n3A_248 = arith.select %ge3A, %scan3A_191, %mul3A_193 : vector<16xi1>, vector<16xf32>
      scf.yield %select_n3A, %select_n3A_248 : vector<16xf32>, vector<16xf32>
    }
    %scan3A_117 = arith.constant 48 : i32
    %scan3A_118 = arith.constant 0 : i32
    %scan3A_119 = arith.constant 1024 : i32
    %scan3A_120 = arith.addi %scan3A_118, %scan3A_119 : i32
    %scan3A_121 = arith.constant 1 : i32
    %scan3A_122 = scf.for %scan3A_189 = %scan3A_118 to %scan3A_120 step %scan3A_121 iter_args(%scan3A_190 = %broadcast_in_dim3A_3) -> (vector<16xi32>)  : i32 {
      %mul3A_191 = arith.constant 16 : i32
      %mul3A_192 = arith.muli %scan3A_189, %mul3A_191 : i32
      %get3A_193 = arith.index_cast %mul3A_192 : i32 to index
      %get3A_194 = tpu.vector_load %arg5[%get3A_193] {strides = array<i32>} : memref<16384xf32, #tpu.memory_space<vmem>>, vector<16xf32>,
      %get3A_195 = vector.shape_cast %get3A_194 : vector<16xf32> to vector<16xf32>
      %gt3A = arith.cmpf ogt, %get3A_195, %scan3A_116#0 : vector<16xf32>
      %select_n3A = arith.select %gt3A, %broadcast_in_dim3A_1, %broadcast_in_dim3A_3 : vector<16xi1>, vector<16xi32>
      %add3A_196 = arith.addi %scan3A_190, %select_n3A : vector<16xi32>
      scf.yield %add3A_196 : vector<16xi32>
    }
    %scan3A_123 = arith.constant 1024 : i32
    %swap3A_124 = arith.constant 0 : index
    %swap3A_125 = tpu.vector_load %arg7[%swap3A_124] {strides = array<i32>} : memref<32xi32, #tpu.memory_space<vmem>>, vector<16xi32>,
    %swap3A_126 = vector.shape_cast %swap3A_125 : vector<16xi32> to vector<16xi32>
    %swap3A_127 = vector.shape_cast %scan3A_122 : vector<16xi32> to vector<16xi32>
    tpu.vector_store %arg7[%swap3A_124], %swap3A_127 {strides = array<i32>} : memref<32xi32, #tpu.memory_space<vmem>>, vector<16xi32>,
    %swap3A_128 = arith.constant 16 : index
    %swap3A_129 = tpu.vector_load %arg7[%swap3A_128] {strides = array<i32>} : memref<32xi32, #tpu.memory_space<vmem>>, vector<16xi32>,
    %swap3A_130 = vector.shape_cast %swap3A_129 : vector<16xi32> to vector<16xi32>
    %swap3A_131 = vector.shape_cast %scan3A_122 : vector<16xi32> to vector<16xi32>
    tpu.vector_store %arg7[%swap3A_128], %swap3A_131 {strides = array<i32>} : memref<32xi32, #tpu.memory_space<vmem>>, vector<16xi32>,
    %get3A_132 = arith.constant 8 : index
    %get3A_133 = tpu.vector_load %arg7[%get3A_132] {strides = array<i32>} : memref<32xi32, #tpu.memory_space<vmem>>, vector<16xi32>,
    %get3A_134 = vector.shape_cast %get3A_133 : vector<16xi32> to vector<16xi32>
    %add3A_135 = arith.addi %scan3A_122, %get3A_134 : vector<16xi32>
    %swap3A_136 = arith.constant 0 : index
    %swap3A_137 = tpu.vector_load %arg7[%swap3A_136] {strides = array<i32>} : memref<32xi32, #tpu.memory_space<vmem>>, vector<16xi32>,
    %swap3A_138 = vector.shape_cast %swap3A_137 : vector<16xi32> to vector<16xi32>
    %swap3A_139 = vector.shape_cast %add3A_135 : vector<16xi32> to vector<16xi32>
    tpu.vector_store %arg7[%swap3A_136], %swap3A_139 {strides = array<i32>} : memref<32xi32, #tpu.memory_space<vmem>>, vector<16xi32>,
    %swap3A_140 = arith.constant 16 : index
    %swap3A_141 = tpu.vector_load %arg7[%swap3A_140] {strides = array<i32>} : memref<32xi32, #tpu.memory_space<vmem>>, vector<16xi32>,
    %swap3A_142 = vector.shape_cast %swap3A_141 : vector<16xi32> to vector<16xi32>
    %swap3A_143 = vector.shape_cast %add3A_135 : vector<16xi32> to vector<16xi32>
    tpu.vector_store %arg7[%swap3A_140], %swap3A_143 {strides = array<i32>} : memref<32xi32, #tpu.memory_space<vmem>>, vector<16xi32>,
    %get3A_144 = arith.constant 4 : index
    %get3A_145 = tpu.vector_load %arg7[%get3A_144] {strides = array<i32>} : memref<32xi32, #tpu.memory_space<vmem>>, vector<16xi32>,
    %get3A_146 = vector.shape_cast %get3A_145 : vector<16xi32> to vector<16xi32>
    %add3A_147 = arith.addi %add3A_135, %get3A_146 : vector<16xi32>
    %swap3A_148 = arith.constant 0 : index
    %swap3A_149 = tpu.vector_load %arg7[%swap3A_148] {strides = array<i32>} : memref<32xi32, #tpu.memory_space<vmem>>, vector<16xi32>,
    %swap3A_150 = vector.shape_cast %swap3A_149 : vector<16xi32> to vector<16xi32>
    %swap3A_151 = vector.shape_cast %add3A_147 : vector<16xi32> to vector<16xi32>
    tpu.vector_store %arg7[%swap3A_148], %swap3A_151 {strides = array<i32>} : memref<32xi32, #tpu.memory_space<vmem>>, vector<16xi32>,
    %swap3A_152 = arith.constant 16 : index
    %swap3A_153 = tpu.vector_load %arg7[%swap3A_152] {strides = array<i32>} : memref<32xi32, #tpu.memory_space<vmem>>, vector<16xi32>,
    %swap3A_154 = vector.shape_cast %swap3A_153 : vector<16xi32> to vector<16xi32>
    %swap3A_155 = vector.shape_cast %add3A_147 : vector<16xi32> to vector<16xi32>
    tpu.vector_store %arg7[%swap3A_152], %swap3A_155 {strides = array<i32>} : memref<32xi32, #tpu.memory_space<vmem>>, vector<16xi32>,
    %get3A_156 = arith.constant 2 : index
    %get3A_157 = tpu.vector_load %arg7[%get3A_156] {strides = array<i32>} : memref<32xi32, #tpu.memory_space<vmem>>, vector<16xi32>,
    %get3A_158 = vector.shape_cast %get3A_157 : vector<16xi32> to vector<16xi32>
    %add3A_159 = arith.addi %add3A_147, %get3A_158 : vector<16xi32>
    %swap3A_160 = arith.constant 0 : index
    %swap3A_161 = tpu.vector_load %arg7[%swap3A_160] {strides = array<i32>} : memref<32xi32, #tpu.memory_space<vmem>>, vector<16xi32>,
    %swap3A_162 = vector.shape_cast %swap3A_161 : vector<16xi32> to vector<16xi32>
    %swap3A_163 = vector.shape_cast %add3A_159 : vector<16xi32> to vector<16xi32>
    tpu.vector_store %arg7[%swap3A_160], %swap3A_163 {strides = array<i32>} : memref<32xi32, #tpu.memory_space<vmem>>, vector<16xi32>,
    %swap3A_164 = arith.constant 16 : index
    %swap3A_165 = tpu.vector_load %arg7[%swap3A_164] {strides = array<i32>} : memref<32xi32, #tpu.memory_space<vmem>>, vector<16xi32>,
    %swap3A_166 = vector.shape_cast %swap3A_165 : vector<16xi32> to vector<16xi32>
    %swap3A_167 = vector.shape_cast %add3A_159 : vector<16xi32> to vector<16xi32>
    tpu.vector_store %arg7[%swap3A_164], %swap3A_167 {strides = array<i32>} : memref<32xi32, #tpu.memory_space<vmem>>, vector<16xi32>,
    %get3A_168 = arith.constant 1 : index
    %get3A_169 = tpu.vector_load %arg7[%get3A_168] {strides = array<i32>} : memref<32xi32, #tpu.memory_space<vmem>>, vector<16xi32>,
    %get3A_170 = vector.shape_cast %get3A_169 : vector<16xi32> to vector<16xi32>
    %add3A_171 = arith.addi %add3A_159, %get3A_170 : vector<16xi32>
    %sub3A_172 = arith.subi %broadcast_in_dim3A_105, %add3A_171 : vector<16xi32>
    %broadcast_in_dim3A_173 = arith.constant -1 : i32
    %broadcast_in_dim3A_174 = vector.broadcast %broadcast_in_dim3A_173 : i32 to vector<16xi32>
    %broadcast_in_dim3A_175 = arith.constant 16383 : i32
    %broadcast_in_dim3A_176 = vector.broadcast %broadcast_in_dim3A_175 : i32 to vector<16xi32>
    %scan3A_177 = arith.constant 0 : i32
    %scan3A_178 = arith.constant 15 : i32
    %scan3A_179 = arith.addi %scan3A_177, %scan3A_178 : i32
    %scan3A_180 = arith.constant 1 : i32
    %scan3A_181:2 = scf.for %scan3A_189 = %scan3A_177 to %scan3A_179 step %scan3A_180 iter_args(%scan3A_190 = %broadcast_in_dim3A_174, %scan3A_191 = %broadcast_in_dim3A_176) -> (vector<16xi32>, vector<16xi32>)  : i32 {
      %add3A_192 = arith.addi %scan3A_190, %scan3A_191 : vector<16xi32>
      %shift_right_arithmetic3A = arith.constant 1 : i32
      %shift_right_arithmetic3A_193 = vector.broadcast %shift_right_arithmetic3A : i32 to vector<16xi32>
      %shift_right_arithmetic3A_194 = arith.shrsi %add3A_192, %shift_right_arithmetic3A_193 : vector<16xi32>
      %scan3A_195 = arith.constant 0 : i32
      %scan3A_196 = arith.constant 1024 : i32
      %scan3A_197 = arith.addi %scan3A_195, %scan3A_196 : i32
      %scan3A_198 = arith.constant 1 : i32
      %scan3A_199 = scf.for %scan3A_250 = %scan3A_195 to %scan3A_197 step %scan3A_198 iter_args(%scan3A_251 = %broadcast_in_dim3A_3) -> (vector<16xi32>)  : i32 {
        %mul3A_252 = arith.constant 16 : i32
        %mul3A_253 = arith.muli %scan3A_250, %mul3A_252 : i32
        %get3A_254 = arith.index_cast %mul3A_253 : i32 to index
        %get3A_255 = tpu.vector_load %arg5[%get3A_254] {strides = array<i32>} : memref<16384xf32, #tpu.memory_space<vmem>>, vector<16xf32>,
        %get3A_256 = vector.shape_cast %get3A_255 : vector<16xf32> to vector<16xf32>
        %eq3A = arith.cmpf oeq, %get3A_256, %scan3A_116#0 : vector<16xf32>
        %mul3A_257 = arith.constant 16 : i32
        %mul3A_258 = arith.muli %scan3A_250, %mul3A_257 : i32
        %add3A_259 = vector.broadcast %mul3A_258 : i32 to vector<16xi32>
        %add3A_260 = arith.addi %iota3A, %add3A_259 : vector<16xi32>
        %le3A_261 = arith.cmpi sle, %add3A_260, %shift_right_arithmetic3A_194 : vector<16xi32>
        %and3A = arith.andi %eq3A, %le3A_261 : vector<16xi1>
        %select_n3A_262 = arith.select %and3A, %broadcast_in_dim3A_1, %broadcast_in_dim3A_3 : vector<16xi1>, vector<16xi32>
        %add3A_263 = arith.addi %scan3A_251, %select_n3A_262 : vector<16xi32>
        scf.yield %add3A_263 : vector<16xi32>
      }
      %scan3A_200 = arith.constant 1024 : i32
      %swap3A_201 = arith.constant 0 : index
      %swap3A_202 = tpu.vector_load %arg7[%swap3A_201] {strides = array<i32>} : memref<32xi32, #tpu.memory_space<vmem>>, vector<16xi32>,
      %swap3A_203 = vector.shape_cast %swap3A_202 : vector<16xi32> to vector<16xi32>
      %swap3A_204 = vector.shape_cast %scan3A_199 : vector<16xi32> to vector<16xi32>
      tpu.vector_store %arg7[%swap3A_201], %swap3A_204 {strides = array<i32>} : memref<32xi32, #tpu.memory_space<vmem>>, vector<16xi32>,
      %swap3A_205 = arith.constant 16 : index
      %swap3A_206 = tpu.vector_load %arg7[%swap3A_205] {strides = array<i32>} : memref<32xi32, #tpu.memory_space<vmem>>, vector<16xi32>,
      %swap3A_207 = vector.shape_cast %swap3A_206 : vector<16xi32> to vector<16xi32>
      %swap3A_208 = vector.shape_cast %scan3A_199 : vector<16xi32> to vector<16xi32>
      tpu.vector_store %arg7[%swap3A_205], %swap3A_208 {strides = array<i32>} : memref<32xi32, #tpu.memory_space<vmem>>, vector<16xi32>,
      %get3A_209 = arith.constant 8 : index
      %get3A_210 = tpu.vector_load %arg7[%get3A_209] {strides = array<i32>} : memref<32xi32, #tpu.memory_space<vmem>>, vector<16xi32>,
      %get3A_211 = vector.shape_cast %get3A_210 : vector<16xi32> to vector<16xi32>
      %add3A_212 = arith.addi %scan3A_199, %get3A_211 : vector<16xi32>
      %swap3A_213 = arith.constant 0 : index
      %swap3A_214 = tpu.vector_load %arg7[%swap3A_213] {strides = array<i32>} : memref<32xi32, #tpu.memory_space<vmem>>, vector<16xi32>,
      %swap3A_215 = vector.shape_cast %swap3A_214 : vector<16xi32> to vector<16xi32>
      %swap3A_216 = vector.shape_cast %add3A_212 : vector<16xi32> to vector<16xi32>
      tpu.vector_store %arg7[%swap3A_213], %swap3A_216 {strides = array<i32>} : memref<32xi32, #tpu.memory_space<vmem>>, vector<16xi32>,
      %swap3A_217 = arith.constant 16 : index
      %swap3A_218 = tpu.vector_load %arg7[%swap3A_217] {strides = array<i32>} : memref<32xi32, #tpu.memory_space<vmem>>, vector<16xi32>,
      %swap3A_219 = vector.shape_cast %swap3A_218 : vector<16xi32> to vector<16xi32>
      %swap3A_220 = vector.shape_cast %add3A_212 : vector<16xi32> to vector<16xi32>
      tpu.vector_store %arg7[%swap3A_217], %swap3A_220 {strides = array<i32>} : memref<32xi32, #tpu.memory_space<vmem>>, vector<16xi32>,
      %get3A_221 = arith.constant 4 : index
      %get3A_222 = tpu.vector_load %arg7[%get3A_221] {strides = array<i32>} : memref<32xi32, #tpu.memory_space<vmem>>, vector<16xi32>,
      %get3A_223 = vector.shape_cast %get3A_222 : vector<16xi32> to vector<16xi32>
      %add3A_224 = arith.addi %add3A_212, %get3A_223 : vector<16xi32>
      %swap3A_225 = arith.constant 0 : index
      %swap3A_226 = tpu.vector_load %arg7[%swap3A_225] {strides = array<i32>} : memref<32xi32, #tpu.memory_space<vmem>>, vector<16xi32>,
      %swap3A_227 = vector.shape_cast %swap3A_226 : vector<16xi32> to vector<16xi32>
      %swap3A_228 = vector.shape_cast %add3A_224 : vector<16xi32> to vector<16xi32>
      tpu.vector_store %arg7[%swap3A_225], %swap3A_228 {strides = array<i32>} : memref<32xi32, #tpu.memory_space<vmem>>, vector<16xi32>,
      %swap3A_229 = arith.constant 16 : index
      %swap3A_230 = tpu.vector_load %arg7[%swap3A_229] {strides = array<i32>} : memref<32xi32, #tpu.memory_space<vmem>>, vector<16xi32>,
      %swap3A_231 = vector.shape_cast %swap3A_230 : vector<16xi32> to vector<16xi32>
      %swap3A_232 = vector.shape_cast %add3A_224 : vector<16xi32> to vector<16xi32>
      tpu.vector_store %arg7[%swap3A_229], %swap3A_232 {strides = array<i32>} : memref<32xi32, #tpu.memory_space<vmem>>, vector<16xi32>,
      %get3A_233 = arith.constant 2 : index
      %get3A_234 = tpu.vector_load %arg7[%get3A_233] {strides = array<i32>} : memref<32xi32, #tpu.memory_space<vmem>>, vector<16xi32>,
      %get3A_235 = vector.shape_cast %get3A_234 : vector<16xi32> to vector<16xi32>
      %add3A_236 = arith.addi %add3A_224, %get3A_235 : vector<16xi32>
      %swap3A_237 = arith.constant 0 : index
      %swap3A_238 = tpu.vector_load %arg7[%swap3A_237] {strides = array<i32>} : memref<32xi32, #tpu.memory_space<vmem>>, vector<16xi32>,
      %swap3A_239 = vector.shape_cast %swap3A_238 : vector<16xi32> to vector<16xi32>
      %swap3A_240 = vector.shape_cast %add3A_236 : vector<16xi32> to vector<16xi32>
      tpu.vector_store %arg7[%swap3A_237], %swap3A_240 {strides = array<i32>} : memref<32xi32, #tpu.memory_space<vmem>>, vector<16xi32>,
      %swap3A_241 = arith.constant 16 : index
      %swap3A_242 = tpu.vector_load %arg7[%swap3A_241] {strides = array<i32>} : memref<32xi32, #tpu.memory_space<vmem>>, vector<16xi32>,
      %swap3A_243 = vector.shape_cast %swap3A_242 : vector<16xi32> to vector<16xi32>
      %swap3A_244 = vector.shape_cast %add3A_236 : vector<16xi32> to vector<16xi32>
      tpu.vector_store %arg7[%swap3A_241], %swap3A_244 {strides = array<i32>} : memref<32xi32, #tpu.memory_space<vmem>>, vector<16xi32>,
      %get3A_245 = arith.constant 1 : index
      %get3A_246 = tpu.vector_load %arg7[%get3A_245] {strides = array<i32>} : memref<32xi32, #tpu.memory_space<vmem>>, vector<16xi32>,
      %get3A_247 = vector.shape_cast %get3A_246 : vector<16xi32> to vector<16xi32>
      %add3A_248 = arith.addi %add3A_236, %get3A_247 : vector<16xi32>
      %ge3A = arith.cmpi sge, %add3A_248, %sub3A_172 : vector<16xi32>
      %select_n3A = arith.select %ge3A, %scan3A_190, %shift_right_arithmetic3A_194 : vector<16xi1>, vector<16xi32>
      %select_n3A_249 = arith.select %ge3A, %shift_right_arithmetic3A_194, %scan3A_191 : vector<16xi1>, vector<16xi32>
      scf.yield %select_n3A, %select_n3A_249 : vector<16xi32>, vector<16xi32>
    }
    %scan3A_182 = arith.constant 15 : i32
    %scan3A_183 = arith.constant 0 : i32
    %scan3A_184 = arith.constant 0 : i32
    %scan3A_185 = arith.constant 1024 : i32
    %scan3A_186 = arith.addi %scan3A_184, %scan3A_185 : i32
    %scan3A_187 = arith.constant 1 : i32
    scf.for %scan3A_189 = %scan3A_184 to %scan3A_186 step %scan3A_187  : i32 {
      %mul3A_190 = arith.constant 16 : i32
      %mul3A_191 = arith.muli %scan3A_189, %mul3A_190 : i32
      %get3A_192 = arith.index_cast %mul3A_191 : i32 to index
      %get3A_193 = tpu.vector_load %arg5[%get3A_192] {strides = array<i32>} : memref<16384xf32, #tpu.memory_space<vmem>>, vector<16xf32>,
      %get3A_194 = vector.shape_cast %get3A_193 : vector<16xf32> to vector<16xf32>
      %mul3A_195 = arith.constant 16 : i32
      %mul3A_196 = arith.muli %scan3A_189, %mul3A_195 : i32
      %add3A_197 = vector.broadcast %mul3A_196 : i32 to vector<16xi32>
      %add3A_198 = arith.addi %iota3A, %add3A_197 : vector<16xi32>
      %gt3A = arith.cmpf ogt, %get3A_194, %scan3A_116#0 : vector<16xf32>
      %eq3A = arith.cmpf oeq, %get3A_194, %scan3A_116#0 : vector<16xf32>
      %le3A_199 = arith.cmpi sle, %add3A_198, %scan3A_181#1 : vector<16xi32>
      %and3A = arith.andi %eq3A, %le3A_199 : vector<16xi1>
      %or3A = arith.ori %gt3A, %and3A : vector<16xi1>
      %or3A_200 = arith.ori %or3A, %le3A_103 : vector<16xi1>
      %broadcast_in_dim3A_201 = arith.constant 0.000000e+00 : f32
      %broadcast_in_dim3A_202 = vector.broadcast %broadcast_in_dim3A_201 : f32 to vector<16xf32>
      %select_n3A = arith.select %or3A_200, %get3A_194, %broadcast_in_dim3A_202 : vector<16xi1>, vector<16xf32>
      %mul3A_203 = arith.constant 16 : i32
      %mul3A_204 = arith.muli %scan3A_189, %mul3A_203 : i32
      %swap3A_205 = arith.index_cast %mul3A_204 : i32 to index
      %swap3A_206 = tpu.vector_load %arg5[%swap3A_205] {strides = array<i32>} : memref<16384xf32, #tpu.memory_space<vmem>>, vector<16xf32>,
      %swap3A_207 = vector.shape_cast %swap3A_206 : vector<16xf32> to vector<16xf32>
      %swap3A_208 = vector.shape_cast %select_n3A : vector<16xf32> to vector<16xf32>
      tpu.vector_store %arg5[%swap3A_205], %swap3A_208 {strides = array<i32>} : memref<16384xf32, #tpu.memory_space<vmem>>, vector<16xf32>,
    }
    %scan3A_188 = arith.constant 1024 : i32
    "tpu.region"() ({
      %run_scoped3A = tpu.sem_alloc : memref<!tpu.dma_semaphore, #tpu.memory_space<semaphore_mem>>
      %dma_start3A = arith.constant 0 : i32
      %dma_start3A_189 = tpu.memref_slice %arg4[%add3A_97, %dma_start3A] : memref<64x16384xf32, #tpu.memory_space<hbm>> -> memref<1x16384xf32, #tpu.memory_space<hbm>>
      %dma_start3A_190 = tpu.memref_squeeze %dma_start3A_189 : memref<1x16384xf32, #tpu.memory_space<hbm>> -> memref<16384xf32, #tpu.memory_space<hbm>>
      %dma_start3A_191 = arith.constant 0 : i32
      %dma_start3A_192 = tpu.memref_slice %arg4[%add3A_97, %dma_start3A_191] : memref<64x16384xf32, #tpu.memory_space<hbm>> -> memref<1x16384xf32, #tpu.memory_space<hbm>>
      %dma_start3A_193 = tpu.memref_squeeze %dma_start3A_192 : memref<1x16384xf32, #tpu.memory_space<hbm>> -> memref<16384xf32, #tpu.memory_space<hbm>>
      tpu.enqueue_dma source(%arg5 : memref<16384xf32, #tpu.memory_space<vmem>>) target(%dma_start3A_193 : memref<16384xf32, #tpu.memory_space<hbm>>) target_semaphore(%run_scoped3A : memref<!tpu.dma_semaphore, #tpu.memory_space<semaphore_mem>>)
      %dma_wait3A = arith.constant 0 : i32
      %dma_wait3A_194 = tpu.memref_slice %arg4[%add3A_97, %dma_wait3A] : memref<64x16384xf32, #tpu.memory_space<hbm>> -> memref<1x16384xf32, #tpu.memory_space<hbm>>
      %dma_wait3A_195 = tpu.memref_squeeze %dma_wait3A_194 : memref<1x16384xf32, #tpu.memory_space<hbm>> -> memref<16384xf32, #tpu.memory_space<hbm>>
      %dma_wait3A_196 = arith.constant 0 : i32
      %dma_wait3A_197 = tpu.memref_slice %arg4[%add3A_97, %dma_wait3A_196] : memref<64x16384xf32, #tpu.memory_space<hbm>> -> memref<1x16384xf32, #tpu.memory_space<hbm>>
      %dma_wait3A_198 = tpu.memref_squeeze %dma_wait3A_197 : memref<1x16384xf32, #tpu.memory_space<hbm>> -> memref<16384xf32, #tpu.memory_space<hbm>>
      tpu.wait_dma2 semaphore(%run_scoped3A : memref<!tpu.dma_semaphore, #tpu.memory_space<semaphore_mem>>) src(%arg5 : memref<16384xf32, #tpu.memory_space<vmem>>) dst(%dma_wait3A_198 : memref<16384xf32, #tpu.memory_space<hbm>>)
      tpu.yield
    }) : () -> ()
    return
  }
}

module attributes {stable_mosaic.version = 14 : i64} {
  func.func @_route_body(%arg0: i32, %arg1: memref<1024x2048xf32, #tpu.memory_space<vmem>>, %arg2: memref<64x2048xf32, #tpu.memory_space<vmem>>, %arg3: memref<1024x64xf32, #tpu.memory_space<vmem>>, %arg4: memref<1024x64xf32, #tpu.memory_space<vmem>>, %arg5: memref<1x64xf32, #tpu.memory_space<vmem>>, %arg6: memref<1x64xf32, #tpu.memory_space<vmem>>, %arg7: memref<1x1xf32, #tpu.memory_space<vmem>>) attributes {dimension_semantics = [#tpu.dimension_semantics<arbitrary>], iteration_bounds = array<i64: 16>, scalar_prefetch = 0 : i64, scratch_operands = 0 : i64, tpu.core_type = #tpu.core_type<tc>, window_params = [{transform_indices = @transform_0, window_bounds = array<i64: 1024, 2048>}, {pipeline_mode = #tpu.pipeline_mode<synchronous>, transform_indices = @transform_1, window_bounds = array<i64: 64, 2048>}, {transform_indices = @transform_2, window_bounds = array<i64: 1024, 64>}, {transform_indices = @transform_3, window_bounds = array<i64: 1024, 64>}, {pipeline_mode = #tpu.pipeline_mode<synchronous>, transform_indices = @transform_4, window_bounds = array<i64: 1, 64>}, {pipeline_mode = #tpu.pipeline_mode<synchronous>, transform_indices = @transform_5, window_bounds = array<i64: 1, 64>}, {pipeline_mode = #tpu.pipeline_mode<synchronous>, transform_indices = @transform_6, window_bounds = array<i64: 1, 1>}]} {
    %get3A = arith.constant 0 : index
    %get3A_0 = arith.constant 0 : index
    %get3A_1 = vector.load %arg1[%get3A, %get3A_0] : memref<1024x2048xf32, #tpu.memory_space<vmem>>, vector<1024x2048xf32>
    %get3A_2 = arith.constant 0 : index
    %get3A_3 = arith.constant 0 : index
    %get3A_4 = vector.load %arg2[%get3A_2, %get3A_3] : memref<64x2048xf32, #tpu.memory_space<vmem>>, vector<64x2048xf32>
    %dot_general3A = arith.constant dense<0.000000e+00> : vector<1024x64xf32>
    %dot_general3A_5 = tpu.matmul %get3A_1, %get3A_4, %dot_general3A {dimension_numbers = #tpu.dot_dimension_numbers<[1], [1], [0], [0], [0, 0, 1, 0], [], []>, transpose_lhs_hint = false} : vector<1024x2048xf32>, vector<64x2048xf32>, vector<1024x64xf32> -> vector<1024x64xf32>
    %reduce_max3A = arith.constant dense<0xFF800000> : vector<1024xf32>
    %reduce_max3A_6 = vector.multi_reduction <maximumf>, %dot_general3A_5, %reduce_max3A [1] : vector<1024x64xf32> to vector<1024xf32>
    %broadcast_in_dim3A = vector.shape_cast %reduce_max3A_6 : vector<1024xf32> to vector<1024x1xf32>
    %sub3A = vector.broadcast %broadcast_in_dim3A : vector<1024x1xf32> to vector<1024x64xf32>
    %sub3A_7 = arith.subf %dot_general3A_5, %sub3A : vector<1024x64xf32>
    %exp3A = math.exp %sub3A_7 : vector<1024x64xf32>
    %reduce_sum3A = arith.constant dense<0.000000e+00> : vector<1024xf32>
    %reduce_sum3A_8 = vector.multi_reduction <add>, %exp3A, %reduce_sum3A [1] : vector<1024x64xf32> to vector<1024xf32>
    %broadcast_in_dim3A_9 = vector.shape_cast %reduce_sum3A_8 : vector<1024xf32> to vector<1024x1xf32>
    %div3A = vector.broadcast %broadcast_in_dim3A_9 : vector<1024x1xf32> to vector<1024x64xf32>
    %div3A_10 = arith.divf %exp3A, %div3A : vector<1024x64xf32>
    %swap3A = arith.constant 0 : index
    %swap3A_11 = arith.constant 0 : index
    %swap3A_12 = vector.load %arg3[%swap3A, %swap3A_11] : memref<1024x64xf32, #tpu.memory_space<vmem>>, vector<1024x64xf32>
    tpu.vector_store %arg3[%swap3A, %swap3A_11], %div3A_10 {strides = array<i32>} : memref<1024x64xf32, #tpu.memory_space<vmem>>, vector<1024x64xf32>,
    %iota3A = tpu.iota {dimensions = array<i32: 1>} : vector<1024x64xi32>
    %broadcast_in_dim3A_13 = arith.constant 0.000000e+00 : f32
    %broadcast_in_dim3A_14 = vector.broadcast %broadcast_in_dim3A_13 : f32 to vector<1024x1xf32>
    %reduce_max3A_15 = arith.constant dense<0xFF800000> : vector<1024xf32>
    %reduce_max3A_16 = vector.multi_reduction <maximumf>, %div3A_10, %reduce_max3A_15 [1] : vector<1024x64xf32> to vector<1024xf32>
    %broadcast_in_dim3A_17 = vector.shape_cast %reduce_max3A_16 : vector<1024xf32> to vector<1024x1xf32>
    %eq3A = vector.broadcast %broadcast_in_dim3A_17 : vector<1024x1xf32> to vector<1024x64xf32>
    %eq3A_18 = arith.cmpf oeq, %div3A_10, %eq3A : vector<1024x64xf32>
    %jit3A = arith.constant 64 : i32
    %broadcast_in_dim3A_19 = vector.broadcast %jit3A : i32 to vector<1024x64xi32>
    %select_n3A = arith.select %eq3A_18, %iota3A, %broadcast_in_dim3A_19 : vector<1024x64xi1>, vector<1024x64xi32>
    %reduce_min3A = arith.constant dense<2147483647> : vector<1024xi32>
    %reduce_min3A_20 = vector.multi_reduction <minsi>, %select_n3A, %reduce_min3A [1] : vector<1024x64xi32> to vector<1024xi32>
    %broadcast_in_dim3A_21 = vector.shape_cast %reduce_min3A_20 : vector<1024xi32> to vector<1024x1xi32>
    %eq3A_22 = vector.broadcast %broadcast_in_dim3A_21 : vector<1024x1xi32> to vector<1024x64xi32>
    %eq3A_23 = arith.cmpi eq, %iota3A, %eq3A_22 : vector<1024x64xi32>
    %jit3A_24 = arith.constant -1.000000e+00 : f32
    %broadcast_in_dim3A_25 = vector.broadcast %jit3A_24 : f32 to vector<1024x64xf32>
    %select_n3A_26 = arith.select %eq3A_23, %broadcast_in_dim3A_25, %div3A_10 : vector<1024x64xi1>, vector<1024x64xf32>
    %add3A = arith.addf %broadcast_in_dim3A_14, %broadcast_in_dim3A_17 : vector<1024x1xf32>
    %reduce_max3A_27 = arith.constant dense<0xFF800000> : vector<1024xf32>
    %reduce_max3A_28 = vector.multi_reduction <maximumf>, %select_n3A_26, %reduce_max3A_27 [1] : vector<1024x64xf32> to vector<1024xf32>
    %broadcast_in_dim3A_29 = vector.shape_cast %reduce_max3A_28 : vector<1024xf32> to vector<1024x1xf32>
    %eq3A_30 = vector.broadcast %broadcast_in_dim3A_29 : vector<1024x1xf32> to vector<1024x64xf32>
    %eq3A_31 = arith.cmpf oeq, %select_n3A_26, %eq3A_30 : vector<1024x64xf32>
    %jit3A_32 = arith.constant 64 : i32
    %broadcast_in_dim3A_33 = vector.broadcast %jit3A_32 : i32 to vector<1024x64xi32>
    %select_n3A_34 = arith.select %eq3A_31, %iota3A, %broadcast_in_dim3A_33 : vector<1024x64xi1>, vector<1024x64xi32>
    %reduce_min3A_35 = arith.constant dense<2147483647> : vector<1024xi32>
    %reduce_min3A_36 = vector.multi_reduction <minsi>, %select_n3A_34, %reduce_min3A_35 [1] : vector<1024x64xi32> to vector<1024xi32>
    %broadcast_in_dim3A_37 = vector.shape_cast %reduce_min3A_36 : vector<1024xi32> to vector<1024x1xi32>
    %eq3A_38 = vector.broadcast %broadcast_in_dim3A_37 : vector<1024x1xi32> to vector<1024x64xi32>
    %eq3A_39 = arith.cmpi eq, %iota3A, %eq3A_38 : vector<1024x64xi32>
    %jit3A_40 = arith.constant -1.000000e+00 : f32
    %broadcast_in_dim3A_41 = vector.broadcast %jit3A_40 : f32 to vector<1024x64xf32>
    %select_n3A_42 = arith.select %eq3A_39, %broadcast_in_dim3A_41, %select_n3A_26 : vector<1024x64xi1>, vector<1024x64xf32>
    %add3A_43 = arith.addf %add3A, %broadcast_in_dim3A_29 : vector<1024x1xf32>
    %reduce_max3A_44 = arith.constant dense<0xFF800000> : vector<1024xf32>
    %reduce_max3A_45 = vector.multi_reduction <maximumf>, %select_n3A_42, %reduce_max3A_44 [1] : vector<1024x64xf32> to vector<1024xf32>
    %broadcast_in_dim3A_46 = vector.shape_cast %reduce_max3A_45 : vector<1024xf32> to vector<1024x1xf32>
    %eq3A_47 = vector.broadcast %broadcast_in_dim3A_46 : vector<1024x1xf32> to vector<1024x64xf32>
    %eq3A_48 = arith.cmpf oeq, %select_n3A_42, %eq3A_47 : vector<1024x64xf32>
    %jit3A_49 = arith.constant 64 : i32
    %broadcast_in_dim3A_50 = vector.broadcast %jit3A_49 : i32 to vector<1024x64xi32>
    %select_n3A_51 = arith.select %eq3A_48, %iota3A, %broadcast_in_dim3A_50 : vector<1024x64xi1>, vector<1024x64xi32>
    %reduce_min3A_52 = arith.constant dense<2147483647> : vector<1024xi32>
    %reduce_min3A_53 = vector.multi_reduction <minsi>, %select_n3A_51, %reduce_min3A_52 [1] : vector<1024x64xi32> to vector<1024xi32>
    %broadcast_in_dim3A_54 = vector.shape_cast %reduce_min3A_53 : vector<1024xi32> to vector<1024x1xi32>
    %eq3A_55 = vector.broadcast %broadcast_in_dim3A_54 : vector<1024x1xi32> to vector<1024x64xi32>
    %eq3A_56 = arith.cmpi eq, %iota3A, %eq3A_55 : vector<1024x64xi32>
    %jit3A_57 = arith.constant -1.000000e+00 : f32
    %broadcast_in_dim3A_58 = vector.broadcast %jit3A_57 : f32 to vector<1024x64xf32>
    %select_n3A_59 = arith.select %eq3A_56, %broadcast_in_dim3A_58, %select_n3A_42 : vector<1024x64xi1>, vector<1024x64xf32>
    %add3A_60 = arith.addf %add3A_43, %broadcast_in_dim3A_46 : vector<1024x1xf32>
    %reduce_max3A_61 = arith.constant dense<0xFF800000> : vector<1024xf32>
    %reduce_max3A_62 = vector.multi_reduction <maximumf>, %select_n3A_59, %reduce_max3A_61 [1] : vector<1024x64xf32> to vector<1024xf32>
    %broadcast_in_dim3A_63 = vector.shape_cast %reduce_max3A_62 : vector<1024xf32> to vector<1024x1xf32>
    %eq3A_64 = vector.broadcast %broadcast_in_dim3A_63 : vector<1024x1xf32> to vector<1024x64xf32>
    %eq3A_65 = arith.cmpf oeq, %select_n3A_59, %eq3A_64 : vector<1024x64xf32>
    %jit3A_66 = arith.constant 64 : i32
    %broadcast_in_dim3A_67 = vector.broadcast %jit3A_66 : i32 to vector<1024x64xi32>
    %select_n3A_68 = arith.select %eq3A_65, %iota3A, %broadcast_in_dim3A_67 : vector<1024x64xi1>, vector<1024x64xi32>
    %reduce_min3A_69 = arith.constant dense<2147483647> : vector<1024xi32>
    %reduce_min3A_70 = vector.multi_reduction <minsi>, %select_n3A_68, %reduce_min3A_69 [1] : vector<1024x64xi32> to vector<1024xi32>
    %broadcast_in_dim3A_71 = vector.shape_cast %reduce_min3A_70 : vector<1024xi32> to vector<1024x1xi32>
    %eq3A_72 = vector.broadcast %broadcast_in_dim3A_71 : vector<1024x1xi32> to vector<1024x64xi32>
    %eq3A_73 = arith.cmpi eq, %iota3A, %eq3A_72 : vector<1024x64xi32>
    %jit3A_74 = arith.constant -1.000000e+00 : f32
    %broadcast_in_dim3A_75 = vector.broadcast %jit3A_74 : f32 to vector<1024x64xf32>
    %select_n3A_76 = arith.select %eq3A_73, %broadcast_in_dim3A_75, %select_n3A_59 : vector<1024x64xi1>, vector<1024x64xf32>
    %add3A_77 = arith.addf %add3A_60, %broadcast_in_dim3A_63 : vector<1024x1xf32>
    %reduce_max3A_78 = arith.constant dense<0xFF800000> : vector<1024xf32>
    %reduce_max3A_79 = vector.multi_reduction <maximumf>, %select_n3A_76, %reduce_max3A_78 [1] : vector<1024x64xf32> to vector<1024xf32>
    %broadcast_in_dim3A_80 = vector.shape_cast %reduce_max3A_79 : vector<1024xf32> to vector<1024x1xf32>
    %eq3A_81 = vector.broadcast %broadcast_in_dim3A_80 : vector<1024x1xf32> to vector<1024x64xf32>
    %eq3A_82 = arith.cmpf oeq, %select_n3A_76, %eq3A_81 : vector<1024x64xf32>
    %jit3A_83 = arith.constant 64 : i32
    %broadcast_in_dim3A_84 = vector.broadcast %jit3A_83 : i32 to vector<1024x64xi32>
    %select_n3A_85 = arith.select %eq3A_82, %iota3A, %broadcast_in_dim3A_84 : vector<1024x64xi1>, vector<1024x64xi32>
    %reduce_min3A_86 = arith.constant dense<2147483647> : vector<1024xi32>
    %reduce_min3A_87 = vector.multi_reduction <minsi>, %select_n3A_85, %reduce_min3A_86 [1] : vector<1024x64xi32> to vector<1024xi32>
    %broadcast_in_dim3A_88 = vector.shape_cast %reduce_min3A_87 : vector<1024xi32> to vector<1024x1xi32>
    %eq3A_89 = vector.broadcast %broadcast_in_dim3A_88 : vector<1024x1xi32> to vector<1024x64xi32>
    %eq3A_90 = arith.cmpi eq, %iota3A, %eq3A_89 : vector<1024x64xi32>
    %jit3A_91 = arith.constant -1.000000e+00 : f32
    %broadcast_in_dim3A_92 = vector.broadcast %jit3A_91 : f32 to vector<1024x64xf32>
    %select_n3A_93 = arith.select %eq3A_90, %broadcast_in_dim3A_92, %select_n3A_76 : vector<1024x64xi1>, vector<1024x64xf32>
    %add3A_94 = arith.addf %add3A_77, %broadcast_in_dim3A_80 : vector<1024x1xf32>
    %reduce_max3A_95 = arith.constant dense<0xFF800000> : vector<1024xf32>
    %reduce_max3A_96 = vector.multi_reduction <maximumf>, %select_n3A_93, %reduce_max3A_95 [1] : vector<1024x64xf32> to vector<1024xf32>
    %broadcast_in_dim3A_97 = vector.shape_cast %reduce_max3A_96 : vector<1024xf32> to vector<1024x1xf32>
    %eq3A_98 = vector.broadcast %broadcast_in_dim3A_97 : vector<1024x1xf32> to vector<1024x64xf32>
    %eq3A_99 = arith.cmpf oeq, %select_n3A_93, %eq3A_98 : vector<1024x64xf32>
    %jit3A_100 = arith.constant 64 : i32
    %broadcast_in_dim3A_101 = vector.broadcast %jit3A_100 : i32 to vector<1024x64xi32>
    %select_n3A_102 = arith.select %eq3A_99, %iota3A, %broadcast_in_dim3A_101 : vector<1024x64xi1>, vector<1024x64xi32>
    %reduce_min3A_103 = arith.constant dense<2147483647> : vector<1024xi32>
    %reduce_min3A_104 = vector.multi_reduction <minsi>, %select_n3A_102, %reduce_min3A_103 [1] : vector<1024x64xi32> to vector<1024xi32>
    %broadcast_in_dim3A_105 = vector.shape_cast %reduce_min3A_104 : vector<1024xi32> to vector<1024x1xi32>
    %eq3A_106 = vector.broadcast %broadcast_in_dim3A_105 : vector<1024x1xi32> to vector<1024x64xi32>
    %eq3A_107 = arith.cmpi eq, %iota3A, %eq3A_106 : vector<1024x64xi32>
    %jit3A_108 = arith.constant -1.000000e+00 : f32
    %broadcast_in_dim3A_109 = vector.broadcast %jit3A_108 : f32 to vector<1024x64xf32>
    %select_n3A_110 = arith.select %eq3A_107, %broadcast_in_dim3A_109, %select_n3A_93 : vector<1024x64xi1>, vector<1024x64xf32>
    %add3A_111 = arith.addf %add3A_94, %broadcast_in_dim3A_97 : vector<1024x1xf32>
    %reduce_max3A_112 = arith.constant dense<0xFF800000> : vector<1024xf32>
    %reduce_max3A_113 = vector.multi_reduction <maximumf>, %select_n3A_110, %reduce_max3A_112 [1] : vector<1024x64xf32> to vector<1024xf32>
    %broadcast_in_dim3A_114 = vector.shape_cast %reduce_max3A_113 : vector<1024xf32> to vector<1024x1xf32>
    %eq3A_115 = vector.broadcast %broadcast_in_dim3A_114 : vector<1024x1xf32> to vector<1024x64xf32>
    %eq3A_116 = arith.cmpf oeq, %select_n3A_110, %eq3A_115 : vector<1024x64xf32>
    %jit3A_117 = arith.constant 64 : i32
    %broadcast_in_dim3A_118 = vector.broadcast %jit3A_117 : i32 to vector<1024x64xi32>
    %select_n3A_119 = arith.select %eq3A_116, %iota3A, %broadcast_in_dim3A_118 : vector<1024x64xi1>, vector<1024x64xi32>
    %reduce_min3A_120 = arith.constant dense<2147483647> : vector<1024xi32>
    %reduce_min3A_121 = vector.multi_reduction <minsi>, %select_n3A_119, %reduce_min3A_120 [1] : vector<1024x64xi32> to vector<1024xi32>
    %broadcast_in_dim3A_122 = vector.shape_cast %reduce_min3A_121 : vector<1024xi32> to vector<1024x1xi32>
    %eq3A_123 = vector.broadcast %broadcast_in_dim3A_122 : vector<1024x1xi32> to vector<1024x64xi32>
    %eq3A_124 = arith.cmpi eq, %iota3A, %eq3A_123 : vector<1024x64xi32>
    %jit3A_125 = arith.constant -1.000000e+00 : f32
    %broadcast_in_dim3A_126 = vector.broadcast %jit3A_125 : f32 to vector<1024x64xf32>
    %select_n3A_127 = arith.select %eq3A_124, %broadcast_in_dim3A_126, %select_n3A_110 : vector<1024x64xi1>, vector<1024x64xf32>
    %add3A_128 = arith.addf %add3A_111, %broadcast_in_dim3A_114 : vector<1024x1xf32>
    %reduce_max3A_129 = arith.constant dense<0xFF800000> : vector<1024xf32>
    %reduce_max3A_130 = vector.multi_reduction <maximumf>, %select_n3A_127, %reduce_max3A_129 [1] : vector<1024x64xf32> to vector<1024xf32>
    %broadcast_in_dim3A_131 = vector.shape_cast %reduce_max3A_130 : vector<1024xf32> to vector<1024x1xf32>
    %eq3A_132 = vector.broadcast %broadcast_in_dim3A_131 : vector<1024x1xf32> to vector<1024x64xf32>
    %eq3A_133 = arith.cmpf oeq, %select_n3A_127, %eq3A_132 : vector<1024x64xf32>
    %jit3A_134 = arith.constant 64 : i32
    %broadcast_in_dim3A_135 = vector.broadcast %jit3A_134 : i32 to vector<1024x64xi32>
    %select_n3A_136 = arith.select %eq3A_133, %iota3A, %broadcast_in_dim3A_135 : vector<1024x64xi1>, vector<1024x64xi32>
    %reduce_min3A_137 = arith.constant dense<2147483647> : vector<1024xi32>
    %reduce_min3A_138 = vector.multi_reduction <minsi>, %select_n3A_136, %reduce_min3A_137 [1] : vector<1024x64xi32> to vector<1024xi32>
    %broadcast_in_dim3A_139 = vector.shape_cast %reduce_min3A_138 : vector<1024xi32> to vector<1024x1xi32>
    %eq3A_140 = vector.broadcast %broadcast_in_dim3A_139 : vector<1024x1xi32> to vector<1024x64xi32>
    %eq3A_141 = arith.cmpi eq, %iota3A, %eq3A_140 : vector<1024x64xi32>
    %jit3A_142 = arith.constant -1.000000e+00 : f32
    %broadcast_in_dim3A_143 = vector.broadcast %jit3A_142 : f32 to vector<1024x64xf32>
    %select_n3A_144 = arith.select %eq3A_141, %broadcast_in_dim3A_143, %select_n3A_127 : vector<1024x64xi1>, vector<1024x64xf32>
    %add3A_145 = arith.addf %add3A_128, %broadcast_in_dim3A_131 : vector<1024x1xf32>
    %lt3A = arith.constant 0.000000e+00 : f32
    %lt3A_146 = vector.broadcast %lt3A : f32 to vector<1024x64xf32>
    %lt3A_147 = arith.cmpf olt, %select_n3A_144, %lt3A_146 : vector<1024x64xf32>
    %jit3A_148 = arith.constant 0.000000e+00 : f32
    %broadcast_in_dim3A_149 = vector.broadcast %jit3A_148 : f32 to vector<1024x64xf32>
    %select_n3A_150 = arith.select %lt3A_147, %div3A_10, %broadcast_in_dim3A_149 : vector<1024x64xi1>, vector<1024x64xf32>
    %div3A_151 = vector.broadcast %add3A_145 : vector<1024x1xf32> to vector<1024x64xf32>
    %div3A_152 = arith.divf %select_n3A_150, %div3A_151 : vector<1024x64xf32>
    %swap3A_153 = arith.constant 0 : index
    %swap3A_154 = arith.constant 0 : index
    %swap3A_155 = vector.load %arg4[%swap3A_153, %swap3A_154] : memref<1024x64xf32, #tpu.memory_space<vmem>>, vector<1024x64xf32>
    tpu.vector_store %arg4[%swap3A_153, %swap3A_154], %div3A_152 {strides = array<i32>} : memref<1024x64xf32, #tpu.memory_space<vmem>>, vector<1024x64xf32>,
    %reduce_sum3A_156 = arith.constant dense<0.000000e+00> : vector<64xf32>
    %reduce_sum3A_157 = vector.multi_reduction <add>, %div3A_10, %reduce_sum3A_156 [0] : vector<1024x64xf32> to vector<64xf32>
    %broadcast_in_dim3A_158 = vector.shape_cast %reduce_sum3A_157 : vector<64xf32> to vector<1x64xf32>
    %reduce_sum3A_159 = arith.constant dense<0.000000e+00> : vector<64xf32>
    %reduce_sum3A_160 = vector.multi_reduction <add>, %div3A_152, %reduce_sum3A_159 [0] : vector<1024x64xf32> to vector<64xf32>
    %broadcast_in_dim3A_161 = vector.shape_cast %reduce_sum3A_160 : vector<64xf32> to vector<1x64xf32>
    %eq3A_162 = arith.constant 0 : i32
    %eq3A_163 = arith.cmpi eq, %arg0, %eq3A_162 : i32
    %convert_element_type3A = arith.extui %eq3A_163 : i1 to i32
    %cond3A = arith.constant 0 : i32
    %cond3A_164 = arith.cmpi ne, %convert_element_type3A, %cond3A : i32
    scf.if %cond3A_164 {
      %swap3A_174 = arith.constant 0 : index
      %swap3A_175 = arith.constant 0 : index
      %swap3A_176 = vector.load %arg5[%swap3A_174, %swap3A_175] : memref<1x64xf32, #tpu.memory_space<vmem>>, vector<1x64xf32>
      tpu.vector_store %arg5[%swap3A_174, %swap3A_175], %broadcast_in_dim3A_158 {strides = array<i32>} : memref<1x64xf32, #tpu.memory_space<vmem>>, vector<1x64xf32>,
      %swap3A_177 = arith.constant 0 : index
      %swap3A_178 = arith.constant 0 : index
      %swap3A_179 = vector.load %arg6[%swap3A_177, %swap3A_178] : memref<1x64xf32, #tpu.memory_space<vmem>>, vector<1x64xf32>
      tpu.vector_store %arg6[%swap3A_177, %swap3A_178], %broadcast_in_dim3A_161 {strides = array<i32>} : memref<1x64xf32, #tpu.memory_space<vmem>>, vector<1x64xf32>,
    } else {
    }
    %ne3A = arith.constant 0 : i32
    %ne3A_165 = arith.cmpi ne, %arg0, %ne3A : i32
    %convert_element_type3A_166 = arith.extui %ne3A_165 : i1 to i32
    %cond3A_167 = arith.constant 0 : i32
    %cond3A_168 = arith.cmpi ne, %convert_element_type3A_166, %cond3A_167 : i32
    scf.if %cond3A_168 {
      %get3A_174 = arith.constant 0 : index
      %get3A_175 = arith.constant 0 : index
      %get3A_176 = vector.load %arg5[%get3A_174, %get3A_175] : memref<1x64xf32, #tpu.memory_space<vmem>>, vector<1x64xf32>
      %add3A_177 = arith.addf %get3A_176, %broadcast_in_dim3A_158 : vector<1x64xf32>
      %swap3A_178 = arith.constant 0 : index
      %swap3A_179 = arith.constant 0 : index
      %swap3A_180 = vector.load %arg5[%swap3A_178, %swap3A_179] : memref<1x64xf32, #tpu.memory_space<vmem>>, vector<1x64xf32>
      tpu.vector_store %arg5[%swap3A_178, %swap3A_179], %add3A_177 {strides = array<i32>} : memref<1x64xf32, #tpu.memory_space<vmem>>, vector<1x64xf32>,
      %get3A_181 = arith.constant 0 : index
      %get3A_182 = arith.constant 0 : index
      %get3A_183 = vector.load %arg6[%get3A_181, %get3A_182] : memref<1x64xf32, #tpu.memory_space<vmem>>, vector<1x64xf32>
      %add3A_184 = arith.addf %get3A_183, %broadcast_in_dim3A_161 : vector<1x64xf32>
      %swap3A_185 = arith.constant 0 : index
      %swap3A_186 = arith.constant 0 : index
      %swap3A_187 = vector.load %arg6[%swap3A_185, %swap3A_186] : memref<1x64xf32, #tpu.memory_space<vmem>>, vector<1x64xf32>
      tpu.vector_store %arg6[%swap3A_185, %swap3A_186], %add3A_184 {strides = array<i32>} : memref<1x64xf32, #tpu.memory_space<vmem>>, vector<1x64xf32>,
    } else {
    }
    %eq3A_169 = arith.constant 15 : i32
    %eq3A_170 = arith.cmpi eq, %arg0, %eq3A_169 : i32
    %convert_element_type3A_171 = arith.extui %eq3A_170 : i1 to i32
    %cond3A_172 = arith.constant 0 : i32
    %cond3A_173 = arith.cmpi ne, %convert_element_type3A_171, %cond3A_172 : i32
    scf.if %cond3A_173 {
      %get3A_174 = arith.constant 0 : index
      %get3A_175 = arith.constant 0 : index
      %get3A_176 = vector.load %arg5[%get3A_174, %get3A_175] : memref<1x64xf32, #tpu.memory_space<vmem>>, vector<1x64xf32>
      %get3A_177 = arith.constant 0 : index
      %get3A_178 = arith.constant 0 : index
      %get3A_179 = vector.load %arg6[%get3A_177, %get3A_178] : memref<1x64xf32, #tpu.memory_space<vmem>>, vector<1x64xf32>
      %mul3A = arith.mulf %get3A_176, %get3A_179 : vector<1x64xf32>
      %reduce_sum3A_180 = vector.shape_cast %mul3A : vector<1x64xf32> to vector<1x1x64xf32>
      %reduce_sum3A_181 = arith.constant dense<0.000000e+00> : vector<1xf32>
      %reduce_sum3A_182 = vector.multi_reduction <add>, %reduce_sum3A_180, %reduce_sum3A_181 [1, 2] : vector<1x1x64xf32> to vector<1xf32>
      %reduce_sum3A_183 = vector.shape_cast %reduce_sum3A_182 : vector<1xf32> to vector<1x1x1xf32>
      %reduce_sum3A_184 = vector.extract %reduce_sum3A_183[0, 0, 0] : f32 from vector<1x1x1xf32>
      %mul3A_185 = arith.constant 6.10351549E-7 : f32
      %mul3A_186 = arith.mulf %reduce_sum3A_184, %mul3A_185 : f32
      %reshape3A = vector.broadcast %mul3A_186 : f32 to vector<1x1xf32>
      %swap3A_187 = arith.constant 0 : index
      %swap3A_188 = arith.constant 0 : index
      %swap3A_189 = vector.load %arg7[%swap3A_187, %swap3A_188] : memref<1x1xf32, #tpu.memory_space<vmem>>, vector<1x1xf32>
      tpu.vector_store %arg7[%swap3A_187, %swap3A_188], %reshape3A {strides = array<i32>} : memref<1x1xf32, #tpu.memory_space<vmem>>, vector<1x1xf32>,
    } else {
    }
    return
  }
  func.func @transform_0(%arg0: i32) -> (i32, i32) {
    %c0_i32 = arith.constant 0 : i32
    %c0_i32_0 = arith.constant 0 : i32
    return %arg0, %c0_i32 : i32, i32
  }
  func.func @transform_1(%arg0: i32) -> (i32, i32) {
    %c0_i32 = arith.constant 0 : i32
    %c0_i32_0 = arith.constant 0 : i32
    %c0_i32_1 = arith.constant 0 : i32
    return %c0_i32, %c0_i32_0 : i32, i32
  }
  func.func @transform_2(%arg0: i32) -> (i32, i32) {
    %c0_i32 = arith.constant 0 : i32
    %c0_i32_0 = arith.constant 0 : i32
    return %arg0, %c0_i32 : i32, i32
  }
  func.func @transform_3(%arg0: i32) -> (i32, i32) {
    %c0_i32 = arith.constant 0 : i32
    %c0_i32_0 = arith.constant 0 : i32
    return %arg0, %c0_i32 : i32, i32
  }
  func.func @transform_4(%arg0: i32) -> (i32, i32) {
    %c0_i32 = arith.constant 0 : i32
    %c0_i32_0 = arith.constant 0 : i32
    %c0_i32_1 = arith.constant 0 : i32
    return %c0_i32, %c0_i32_0 : i32, i32
  }
  func.func @transform_5(%arg0: i32) -> (i32, i32) {
    %c0_i32 = arith.constant 0 : i32
    %c0_i32_0 = arith.constant 0 : i32
    %c0_i32_1 = arith.constant 0 : i32
    return %c0_i32, %c0_i32_0 : i32, i32
  }
  func.func @transform_6(%arg0: i32) -> (i32, i32) {
    %c0_i32 = arith.constant 0 : i32
    %c0_i32_0 = arith.constant 0 : i32
    %c0_i32_1 = arith.constant 0 : i32
    return %c0_i32, %c0_i32_0 : i32, i32
  }
}

module attributes {stable_mosaic.version = 14 : i64} {
  func.func @_t_body(%arg0: i32, %arg1: memref<1024x64xf32, #tpu.memory_space<vmem>>, %arg2: memref<64x1024xf32, #tpu.memory_space<vmem>>) attributes {dimension_semantics = [#tpu.dimension_semantics<arbitrary>], iteration_bounds = array<i64: 16>, scalar_prefetch = 0 : i64, scratch_operands = 0 : i64, tpu.core_type = #tpu.core_type<tc>, window_params = [{transform_indices = @transform_0, window_bounds = array<i64: 1024, 64>}, {transform_indices = @transform_1, window_bounds = array<i64: 64, 1024>}]} {
    %get3A = arith.constant 0 : index
    %get3A_0 = arith.constant 0 : index
    %get3A_1 = vector.load %arg1[%get3A, %get3A_0] : memref<1024x64xf32, #tpu.memory_space<vmem>>, vector<1024x64xf32>
    %transpose3A = tpu.transpose %get3A_1, [1, 0] : vector<1024x64xf32> -> vector<64x1024xf32>
    %swap3A = arith.constant 0 : index
    %swap3A_2 = arith.constant 0 : index
    %swap3A_3 = vector.load %arg2[%swap3A, %swap3A_2] : memref<64x1024xf32, #tpu.memory_space<vmem>>, vector<64x1024xf32>
    tpu.vector_store %arg2[%swap3A, %swap3A_2], %transpose3A {strides = array<i32>} : memref<64x1024xf32, #tpu.memory_space<vmem>>, vector<64x1024xf32>,
    return
  }
  func.func @transform_0(%arg0: i32) -> (i32, i32) {
    %c0_i32 = arith.constant 0 : i32
    %c0_i32_0 = arith.constant 0 : i32
    return %arg0, %c0_i32 : i32, i32
  }
  func.func @transform_1(%arg0: i32) -> (i32, i32) {
    %c0_i32 = arith.constant 0 : i32
    %c0_i32_0 = arith.constant 0 : i32
    return %c0_i32, %arg0 : i32, i32
  }
}

module attributes {stable_mosaic.version = 14 : i64} {
  func.func @_t_body(%arg0: i32, %arg1: memref<64x1024xf32, #tpu.memory_space<vmem>>, %arg2: memref<1024x64xf32, #tpu.memory_space<vmem>>) attributes {dimension_semantics = [#tpu.dimension_semantics<arbitrary>], iteration_bounds = array<i64: 16>, scalar_prefetch = 0 : i64, scratch_operands = 0 : i64, tpu.core_type = #tpu.core_type<tc>, window_params = [{transform_indices = @transform_0, window_bounds = array<i64: 64, 1024>}, {transform_indices = @transform_1, window_bounds = array<i64: 1024, 64>}]} {
    %get3A = arith.constant 0 : index
    %get3A_0 = arith.constant 0 : index
    %get3A_1 = vector.load %arg1[%get3A, %get3A_0] : memref<64x1024xf32, #tpu.memory_space<vmem>>, vector<64x1024xf32>
    %transpose3A = tpu.transpose %get3A_1, [1, 0] : vector<64x1024xf32> -> vector<1024x64xf32>
    %swap3A = arith.constant 0 : index
    %swap3A_2 = arith.constant 0 : index
    %swap3A_3 = vector.load %arg2[%swap3A, %swap3A_2] : memref<1024x64xf32, #tpu.memory_space<vmem>>, vector<1024x64xf32>
    tpu.vector_store %arg2[%swap3A, %swap3A_2], %transpose3A {strides = array<i32>} : memref<1024x64xf32, #tpu.memory_space<vmem>>, vector<1024x64xf32>,
    return
  }
  func.func @transform_0(%arg0: i32) -> (i32, i32) {
    %c0_i32 = arith.constant 0 : i32
    %c0_i32_0 = arith.constant 0 : i32
    return %c0_i32, %arg0 : i32, i32
  }
  func.func @transform_1(%arg0: i32) -> (i32, i32) {
    %c0_i32 = arith.constant 0 : i32
    %c0_i32_0 = arith.constant 0 : i32
    return %arg0, %c0_i32 : i32, i32
  }
}

</mosaic_0001>

<sc_bundles>
// kernel: branch_1_fun.5.cloned.1.call-start
scs
__scs_entry_jumppad:
0x0: {  	(pc) =	sbr.rel $0x88, $3  }
0x1: {  	(tag) =	ssettag $0x0;
	lr =	simm.s32 $0x1  }
0x2: {  	[smem:$0x3F9F] =	sst lr;
	_ =	strace $0xD0000000  }
0x3: {  	_ = 	snop  }
0x4: {  	_ = 	snop  }
0x5: {  	_ = 	snop  }
0x6: {  	_ = 	snop  }
0x7: {  	_ = 	snop  }
__scs_overlays_trampoline_lowered:
0x8: {  	[smem:$0x3FAE] =	sst s0  }
0x9: {  	[smem:$0x3FAF] =	sst s1  }
0xa: {  	[smem:$0x3FB0] =	sst s2  }
0xb: {  	[smem:$0x3FB1] =	sst s3  }
0xc: {  	[smem:$0x3FB2] =	sst s4  }
0xd: {  	[smem:$0x3FB3] =	sst s5  }
0xe: {  	[smem:$0x3FB4] =	sst s6  }
0xf: {  	[smem:$0x3FB5] =	sst s7  }
0x10: {  	[smem:$0x3FB6] =	sst s8  }
0x11: {  	[smem:$0x3FB7] =	sst s9;
	s0 =	simm.s32 @!p0 $0x0  }
0x12: {  	s1 =	sld [smem:$0x3F9D];
	s0 =	simm.s32 @p0 $0x1  }
0x13: {  	[smem:$0x3FB8] =	sst s0;
	s0 =	simm.s32 @!p1 $0x0  }
0x14: {  	s2 =	sld [smem:$0x3F9C];
	s0 =	simm.s32 @p1 $0x1  }
0x15: {  	[smem:$0x3FB9] =	sst s0;
	s0 =	simm.s32 @!p2 $0x0  }
0x16: {  	s3 =	sld [smem:$0x3FDB];
	s0 =	simm.s32 @p2 $0x1  }
0x17: {  	s4 =	simm.s32 $0x1BF5;
	[smem:$0x3FBB] =	sst s0  }
0x18: {  	s0 =	sld [smem:$0x3F9E];
	_ =	swait.ge [sflag:s4], $0x0  }
0x19: {  	s7 =	sld [smem:$0x3F9F]  }
0x1a: {  	s8 =	sadd.s32 $0xFFFFE003, lr  }
0x1b: {  	s9 =	sadd.s32 $0xFFFFFEF7, lr;
	s5 =	simm.s32 $0xFFFFFFFF;
	p2 =	slt.u32 s8, $0xFFFFF086  }
0x1c: {  	p1 =	slt.u32 s9, $0xF7A;
	s5 =	simm.s32 @!p2 $0x0  }
0x1d: {  	s5 =	simm.s32 @p1 $0x1;
	p0 =	seq.s32 s7, s2  }
0x1e: {  	s7 =	smul.u32 @!p0 $0xF7A, s2;
	p2 =	seq.s32 @!p0 s5, $0x0  }
0x1f: {  	s9 =	smul.u32 $0xF7A, s1;
	s8 =	simm.s32 @!p0 $0x1BF5;
	p2 =	por !p2, p0  }
0x20: {  	[sflag:s8] =	ssyncset.s32 @!p0 $0xFFFFF086;
	s6 =	sadd.s32 @!p0 s3, s7;
	s7 =	simm.s32 @!p0 $0x108  }
0x21: {  	s3 =	sadd.s32 s3, s9;
	s6 =	sadd.s32 @!p0 $0x88, s6;
	s7 =	simm.s32 @p2 $0x1082  }
0x22: {  	[simem:s7], [sflag:s8] =	dma.local @!p0 [hbm:s6], $0xF7A  }
0x23: {  	s9 =	sor.u32 $0xD0000000, s2;
	s6 =	simm.s32 $0x108;
	_ =	swait.ge @!p0 [sflag:s8], $0x0  }
0x24: {  	s3 =	sadd.s32 $0x88, s3;
	s6 =	simm.s32 @!p1 $0x1082;
	[sflag:s4] =	ssyncset.s32 $0xFFFFF086  }
0x25: {  	[simem:s6], [sflag:s4] =	dma.local [hbm:s3], $0xF7A  }
0x26: {  	[smem:$0x3F9F] =	sst s1;
	(tag) =	ssettag s2;
	_ =	strace s9  }
0x27: {  	s1 =	sld [smem:$0x3FAF]  }
0x28: {  	s2 =	sld [smem:$0x3FB0]  }
0x29: {  	s4 =	sld [smem:$0x3FB2]  }
0x2a: {  	p0 =	seq.s32 s5, $0x0;
	s5 =	sld [smem:$0x3FB3]  }
0x2b: {  	s6 =	sld [smem:$0x3FB4]  }
0x2c: {  	s7 =	sld [smem:$0x3FB5]  }
0x2d: {  	s3 =	simm.s32 $0x108;
	s8 =	sld [smem:$0x3FB6]  }
0x2e: {  	s3 =	simm.s32 @!p0 $0x1082;
	s9 =	sld [smem:$0x3FB7]  }
0x2f: {  	lr =	sadd.s32 s0, s3;
	s0 =	sld [smem:$0x3FAE]  }
0x30: {  	s3 =	sld [smem:$0x3FB1]  }
0x31: {  	[smem:$0x3FBA] =	sst s10  }
0x32: {  	s10 =	sld [smem:$0x3FB8];
	_ =	sdelay $0x3  }
0x33: {  	p0 =	seq.s32 s10, $0x1;
	s10 =	sld [smem:$0x3FBA];
	_ =	sdelay $0x3  }
0x34: {  	[smem:$0x3FBA] =	sst s10  }
0x35: {  	s10 =	sld [smem:$0x3FB9];
	_ =	sdelay $0x3  }
0x36: {  	p1 =	seq.s32 s10, $0x1;
	s10 =	sld [smem:$0x3FBA];
	_ =	sdelay $0x3  }
0x37: {  	[smem:$0x3FBA] =	sst s10  }
0x38: {  	s10 =	sld [smem:$0x3FBB]  }
0x39: {  	_ = 	snop;
	(pc) =	sbr.ind lr, $3  }
0x3a: {  	_ = 	snop  }
0x3b: {  	_ = 	snop  }
0x3c: {  	p2 =	seq.s32 s10, $0x1;
	s10 =	sld [smem:$0x3FBA]  }
0x3d: {  	_ =	shalt  }
0x3e: {  	_ =	shalt  }
0x3f: {  	_ =	shalt  }
0x40: {  	_ =	shalt  }
0x41: {  	_ =	shalt  }
0x42: {  	_ =	shalt  }
0x43: {  	_ =	shalt  }
0x44: {  	_ =	shalt  }
0x45: {  	_ =	shalt  }
0x46: {  	_ =	shalt  }
0x47: {  	_ =	shalt  }
0x48: {  	_ =	shalt  }
0x49: {  	_ =	shalt  }
0x4a: {  	_ =	shalt  }
0x4b: {  	_ =	shalt  }
0x4c: {  	_ =	shalt  }
0x4d: {  	_ =	shalt  }
0x4e: {  	_ =	shalt  }
0x4f: {  	_ =	shalt  }
0x50: {  	_ =	shalt  }
0x51: {  	_ =	shalt  }
0x52: {  	_ =	shalt  }
0x53: {  	_ =	shalt  }
0x54: {  	_ =	shalt  }
0x55: {  	_ =	shalt  }
0x56: {  	_ =	shalt  }
0x57: {  	_ =	shalt  }
0x58: {  	_ =	shalt  }
0x59: {  	_ =	shalt  }
0x5a: {  	_ =	shalt  }
0x5b: {  	_ =	shalt  }
0x5c: {  	_ =	shalt  }
0x5d: {  	_ =	shalt  }
0x5e: {  	_ =	shalt  }
0x5f: {  	_ =	shalt  }
0x60: {  	_ =	shalt  }
0x61: {  	_ =	shalt  }
0x62: {  	_ =	shalt  }
0x63: {  	_ =	shalt  }
0x64: {  	_ =	shalt  }
0x65: {  	_ =	shalt  }
0x66: {  	_ =	shalt  }
0x67: {  	_ =	shalt  }
0x68: {  	_ =	shalt  }
0x69: {  	_ =	shalt  }
0x6a: {  	_ =	shalt  }
0x6b: {  	_ =	shalt  }
0x6c: {  	_ =	shalt  }
0x6d: {  	_ =	shalt  }
0x6e: {  	_ =	shalt  }
0x6f: {  	_ =	shalt  }
0x70: {  	_ =	shalt  }
0x71: {  	_ =	shalt  }
0x72: {  	_ =	shalt  }
0x73: {  	_ =	shalt  }
0x74: {  	_ =	shalt  }
0x75: {  	_ =	shalt  }
0x76: {  	_ =	shalt  }
0x77: {  	_ =	shalt  }
0x78: {  	_ =	shalt  }
0x79: {  	_ =	shalt  }
0x7a: {  	_ =	shalt  }
0x7b: {  	_ =	shalt  }
0x7c: {  	_ =	shalt  }
0x7d: {  	_ =	shalt  }
0x7e: {  	_ =	shalt  }
0x7f: {  	_ =	shalt  }
0x80: {  	_ =	shalt  }
0x81: {  	_ =	shalt  }
0x82: {  	_ =	shalt  }
0x83: {  	_ =	shalt  }
0x84: {  	_ =	shalt  }
0x85: {  	_ =	shalt  }
0x86: {  	_ =	shalt  }
0x87: {  	_ =	shalt  }
.Lfunc_end0:
.L_simem_size_0:
called_computation_lowered:
.L_overlay_start_0:
0x88: {  	s2 =	sld [smem:$0x3FD9]  }
0x89: {  	s3 =	sld [smem:$0x3FFE];
	_ =	sdelay $0x1  }
0x8a: {  	s1 =	srdreg.scid  }
0x8b: {  	s0 =	sand.u32 $0x1, s1  }
0x8c: {  	s14 =	sshll.u32 s0, $0xA;
	s2 =	sadd.s32 s3, s2  }
0x8d: {  	s2 =	sadd.s32 s2, s14  }
0x8e: {  	[smem:$0x3FC6] =	sst s2  }
0x8f: {  	_ = 	snop  }
0x90: {  	s2 =	sld [smem:$0x3FD0];
	_ =	sdelay $0x2  }
0x91: {  	s15 =	simm.s32 $0xA;
	s4 =	simm.s32 $0x10  }
0x92: {  	[smem:s4], [sflag:s15] =	dma.local [hbm:s2], $0x1  }
0x93: {  	_ =	swait.eq [sflag:s15], $0x1  }
0x94: {  	[sflag:s15] =	ssyncset.done $0x0  }
0x95: {  	s16 =	sld [smem:$0x10];
	[sflag:s15] =	ssyncadd.s32 $0xFFFFFFFF  }
0x96: {  	s17 =	sld [smem:$0x11];
	(tm) =	ssettm $0x1  }
0x97: {  	s18 =	sld [smem:$0x3FFB];
	_ =	sdelay $0x3  }
0x98: {  	_ =	strace s18  }
0x99: {  	s4 =	sld [smem:$0x3FFC];
	_ =	sdelay $0x3  }
0x9a: {  	_ =	strace s4  }
0x9b: {  	s4 =	sld [smem:$0x3FFD];
	_ =	sdelay $0x3  }
0x9c: {  	_ =	strace s4  }
0x9d: {  	_ =	strace $0x8FFFFFFF  }
0x9e: {  	s19 =	sld [smem:$0x3FDB];
	_ =	sdelay $0x1  }
0x9f: {  	s5 =	simm.s32 $_scs_section_size  }
0xa0: {  	s6 =	simm.s32 $_size__tile_overlayer_lowered;
	s7 =	simm.s32 $_tile_overlayer_lowered  }
0xa1: {  	s22 =	simm.s32 $0x1BFF;
	s21 =	sshll.u32 s7, $0x1;
	s4 =	sadd.s32 s5, s19  }
0xa2: {  	s8 =	simm.s32 $0x0;
	s20 =	sshll.u32 s6, $0x1;
	s6 =	sadd.s32 s21, s4  }
0xa3: {  	[timem:s8], [sflag:s22] =	dma.local [hbm:s6], s20  }
0xa4: {  	_ =	swait.ge [sflag:s22], s20  }
0xa5: {  	s5 =	ssub.s32 $0x0, s20;
	[sflag:s22] =	ssyncset.done $0x0  }
0xa6: {  	[sflag:s22] =	ssyncadd.s32 s5;
	_ =	sdelay $0x1  }
0xa7: {  	s23 =	simm.s32 $0x1B8B  }
0xa8: {  	_ =	swait.ge [sflag:s23], $0x1  }
0xa9: {  	[sflag:s23] =	ssyncset.done $0x0  }
0xaa: {  	s25 =	simm.s32 $0x1B8E;
	s24 =	sld [smem:$0x3FFE];
	[sflag:s23] =	ssyncadd.s32 $0xFFFFFFFF  }
0xab: {  	s26 =	simm.s32 $execute0_lowered;
	[smem:$0x3FD2] =	sst s25  }
0xac: {  	s6 =	sshll.u32 s26, $0x1;
	_ =	strace $0x80000046;
	[dreg:$0x1] =	wrdreg $0xFFFFFFFF  }
0xad: {  	s28 =	simm.s32 $_size_execute0_lowered;
	s4 =	sadd.s32 s4, s6;
	[dreg:$0x0] =	wrdreg $0x0  }
0xae: {  	s6 =	sshll.u32 s28, $0x1;
	[dreg:$0x2] =	wrdreg s4  }
0xaf: {  	[dreg:$0x3] =	wrdreg s6  }
0xb0: {  	[dreg:$0x4] =	wrdreg $0xC0  }
0xb1: {  	_ =	task [dreg:s8], $0x5FFFF  }
0xb2: {  	[dreg:$0x1] =	wrdreg $0xFFFFFFFF  }
0xb3: {  	[dreg:$0x0] =	wrdreg $0x60  }
0xb4: {  	[dreg:$0x2] =	wrdreg s17  }
0xb5: {  	[dreg:$0x3] =	wrdreg s24  }
0xb6: {  	[dreg:$0x4] =	wrdreg s16  }
0xb7: {  	[dreg:$0x5] =	wrdreg $0x9  }
0xb8: {  	_ =	task.clear_ibuf [dreg:s8], $0x6FFFF;
	_ =	strace $0x90000046  }
0xb9: {  	s29 =	simm.s32 $0x9;
	_ =	strace $0x80000048  }
0xba: {  	_ =	swait.ge [sflag:s29], $0x1  }
0xbb: {  	[sflag:s29] =	ssyncadd.s32 $0xFFFFFFFF  }
0xbc: {  	_ =	strace $0x90000048  }
0xbd: {  	_ =	sfence  }
0xbe: {  	s30 =	sld [smem:$0x0];
	_ =	sdelay $0x2  }
0xbf: {  	s31 =	sshll.u32 s1, $0xD;
	s1 =	sshrl.u32 s1, $0x2  }
0xc0: {  	s3 =	sand.u32 $0x4000, s31;
	s1 =	sadd.s32 s1, s30  }
0xc1: {  	s0 =	sor.u32 s3, s0;
	s1 =	sshll.u32 s1, $0x11  }
0xc2: {  	s0 =	sor.u32 s1, s0  }
0xc3: {  	s0 =	sadd.s32 $0x8F2B, s0  }
0xc4: {  	[sflag:s0] =	ssyncadd.remote.s32 $0x1  }
0xc5: {  	_ =	sfence.sel $0xFFFF  }
0xc6: {  	[dreg:$0x0] =	wrdreg $0xFFFFFFFF;
	(pc) =	sbr.abs _section_cstart, $3  }
0xc7: {  	[dreg:$0x1] =	wrdreg $0xFFFFFFFF  }
0xc8: {  	_ =	task.clear_ibuf [dreg:s8], $0x2FFFF;
	_ =	strace $0x9FFFFFFF  }
0xc9: {  	(tm) =	ssettm $0x7FFFFFFF  }
tec
execute0_lowered:
.L_overlay_start_1:
0x0: {  	(tag) =	ssettag $0x1  }
0x1: {  	s6 =	rddreg [dreg:$0x0]  }
0x2: {  	s3 =	rddreg [dreg:$0x1]  }
0x3: {  	s8 =	rddreg [dreg:$0x2]  }
0x4: {  	s0 =	rddreg [dreg:$0x3];
	s2 =	simm.s32 $0x0;
	s4 =	srdreg.scid  }
0x5: {  	s1 =	stileid.u32;
	s14 =	simm.s32 $0x0;
	[smem:$0x7FF] =	sst s2  }
0x6: {  	s7 =	sadd.s32 $0x1200, s3;
	s26 =	sand.u32 $0x1, s4;
	s28 =	sshll.u32 s1, $0x9  }
0x7: {  	s9 =	sshrl.u32 s1, $0x1;
	_ =	strace $0x80000047;
	s5 =	sshll.u32 s26, $0x8  }
0x8: {  	s4 =	sand.u32 $0x200, s28;
	s3 =	ssub.s32 $0x2, s26;
	s10 =	sshll.u32 s9, $0x11  }
0x9: {  	s9 =	sshll.u32 s9, $0xA;
	s4 =	sor.u32 s5, s4;
	s29 =	sshrl.u32 s3, $0x1  }
0xa: {  	s11 =	sor.u32 s10, s4;
	s12 =	ssub.s32 s3, s29;
	s31 =	sor.u32 s9, s4  }
0xb: {  	s13 =	sor.u32 $0x80, s4;
	s30 =	sshrl.u32 s11, $0x3;
	s11 =	sshrl.u32 s31, $0x3  }
0xc: {  	s10 =	sor.u32 s10, s13;
	s9 =	sor.u32 s9, s13;
	s13 =	simm.s32 $0x4000  }
0xd: {  	s3 =	sadd.s32 s6, s30;
	s4 =	sadd.s32 s7, s11;
	s5 =	sadd.s32 s8, s30  }
0xe: {  	s10 =	sshrl.u32 s10, $0x3;
	s9 =	sshrl.u32 s9, $0x3;
	s11 =	simm.s32 $0x400  }
0xf: {  	v0 =	vlaneseq.u32;
	s6 =	sadd.s32 s6, s10;
	s7 =	sadd.s32 s7, s9;
	s8 =	sadd.s32 s8, s10  }
0x10: {  	v1 =	vimm.s32 $0x0;
	v2 =	vmul.u32 $0xFFFFFFFF, v0;
	s9 =	smax.u32 s12, $0x1;
	s10 =	simm.s32 $0x80;
	s12 =	simm.s32 $0x1  }
.LBB2_1:
0x11: {  	[tilespmem:s2], [sflag:$0x1] =	stream.strided.gather [hbm4b:s3+s10], $0x4000, s11, s10, $0x38;
	[tilespmem:$0x4100] =	vst v63  }
0x12: {  	_ =	swait.ge [sflag:s12], $0x4000  }
0x13: {  	[sflag:s12] =	ssyncset.done $0x0  }
0x14: {  	[sflag:s12] =	ssyncadd.s32 $0xFFFFC000  }
0x15: {  	[tilespmem:s13], [sflag:$0x1] =	stream.linear.gather [hbm4b:s4+s2], $0x80, $0x38;
	[tilespmem:$0x4100] =	vst v63  }
0x16: {  	_ =	swait.ge [sflag:s12], $0x80  }
0x17: {  	[sflag:s12] =	ssyncset.done $0x0  }
0x18: {  	[sflag:s12] =	ssyncadd.s32 $0xFFFFFF80  }
0x19: {  	v3 =	vimm.f32 $0.0e+00;
	v5 =	vimm.f32 $1.001000050e+00;
	s15 =	simm.s32 $0x0;
	v4 =	vld [tilespmem:$0x4000]  }
.LBB2_2:
0x1a: {  	v6 =	vadd.f32 v5, v3;
	s17 =	simm.s32 $0x0  }
0x1b: {  	v8 =	vld [tilespmem:s17+$0x0]  }
0x1c: {  	v7 =	vimm.s32 $0x0;
	s16 =	simm.s32 $0x40;
	v6 =	vmul.f32 $5.000000000e-01, v6  }
.LBB2_3:
0x1d: {  	p0 =	sne.s32 s16, $0xFFC0  }
.Ltmp0:
0x1e: {  	_ = 	snop;
	(pc) =	sbr.rel @p0 .LBB2_3-.Ltmp0, $4  }
0x1f: {  	_ = 	snop  }
0x20: {  	s17 =	sshra.s32 s16, $0x2;
	s16 =	sadd.s32 $0x40, s16;
	vm0 =	vge.f32 v8, v6  }
0x21: {  	v8 =	vld [tilespmem:s17+$0x0];
	v9 =	vsel vm0, $0x1, v1  }
0x22: {  	v7 =	vadd.s32 v9, v7  }
0x23: {  	_ =	sdelay $0x2  }
0x24: {  	vm0 =	vge.f32 v8, v6  }
0x25: {  	v8 =	vsel vm0, $0x1, v1  }
0x26: {  	v7 =	vadd.s32 v8, v7  }
0x27: {  	[tilespmem:$0x4080] =	vst v7  }
0x28: {  	[tilespmem:$0x4090] =	vst v7  }
0x29: {  	v60 =	vld [tilespmem:$0x4088];
	_ =	sdelay $0x4  }
0x2a: {  	v7 =	vadd.s32 v7, v60  }
0x2b: {  	[tilespmem:$0x4080] =	vst v7  }
0x2c: {  	[tilespmem:$0x4090] =	vst v7  }
0x2d: {  	v61 =	vld [tilespmem:$0x4084];
	_ =	sdelay $0x4  }
0x2e: {  	v7 =	vadd.s32 v7, v61  }
0x2f: {  	[tilespmem:$0x4080] =	vst v7  }
0x30: {  	[tilespmem:$0x4090] =	vst v7  }
0x31: {  	v62 =	vld [tilespmem:$0x4082];
	_ =	sdelay $0x4  }
0x32: {  	v7 =	vadd.s32 v7, v62  }
0x33: {  	[tilespmem:$0x4080] =	vst v7  }
0x34: {  	[tilespmem:$0x4090] =	vst v7  }
0x35: {  	v63 =	vld [tilespmem:$0x4081]  }
0x36: {  	s15 =	sadd.s32 $0x1, s15  }
0x37: {  	p0 =	sne.s32 s15, $0x30  }
.Ltmp1:
0x38: {  	_ = 	snop;
	(pc) =	sbr.rel @p0 .LBB2_2-.Ltmp1, $4  }
0x39: {  	_ = 	snop  }
0x3a: {  	v7 =	vadd.s32 v7, v63  }
0x3b: {  	vm15 =	vgt.s32 v7, $0x13F  }
0x3c: {  	v3 =	vsel vm15, v6, v3;
	v5 =	vsel vm15, v5, v6  }
0x3d: {  	s16 =	simm.s32 $0x0  }
0x3e: {  	v6 =	vld [tilespmem:s16+$0x0]  }
0x3f: {  	v5 =	vimm.s32 $0x0;
	s15 =	simm.s32 $0x40  }
.LBB2_6:
0x40: {  	p0 =	sne.s32 s15, $0xFFC0  }
.Ltmp2:
0x41: {  	_ = 	snop;
	(pc) =	sbr.rel @p0 .LBB2_6-.Ltmp2, $4  }
0x42: {  	_ = 	snop  }
0x43: {  	s16 =	sshra.s32 s15, $0x2;
	s15 =	sadd.s32 $0x40, s15;
	vm0 =	vgt.f32 v6, v3  }
0x44: {  	v6 =	vld [tilespmem:s16+$0x0];
	v7 =	vsel vm0, $0x1, v1  }
0x45: {  	v5 =	vadd.s32 v7, v5  }
0x46: {  	_ =	sdelay $0x2  }
0x47: {  	vm0 =	vgt.f32 v6, v3  }
0x48: {  	v6 =	vsel vm0, $0x1, v1  }
0x49: {  	v5 =	vadd.s32 v6, v5  }
0x4a: {  	[tilespmem:$0x4080] =	vst v5  }
0x4b: {  	[tilespmem:$0x4090] =	vst v5  }
0x4c: {  	v6 =	vld [tilespmem:$0x4088];
	_ =	sdelay $0x4  }
0x4d: {  	v5 =	vadd.s32 v5, v6  }
0x4e: {  	[tilespmem:$0x4080] =	vst v5  }
0x4f: {  	[tilespmem:$0x4090] =	vst v5  }
0x50: {  	v6 =	vld [tilespmem:$0x4084];
	_ =	sdelay $0x4  }
0x51: {  	v5 =	vadd.s32 v5, v6  }
0x52: {  	[tilespmem:$0x4080] =	vst v5  }
0x53: {  	[tilespmem:$0x4090] =	vst v5  }
0x54: {  	v6 =	vld [tilespmem:$0x4082];
	_ =	sdelay $0x4  }
0x55: {  	v5 =	vadd.s32 v5, v6  }
0x56: {  	[tilespmem:$0x4080] =	vst v5  }
0x57: {  	[tilespmem:$0x4090] =	vst v5  }
0x58: {  	v6 =	vld [tilespmem:$0x4081];
	_ =	sdelay $0x4  }
0x59: {  	v5 =	vadd.s32 v6, v5  }
0x5a: {  	s15 =	simm.s32 $0x0;
	v7 =	vimm.s32 $0xFFFFFFFF;
	s16 =	simm.s32 $0x0;
	v6 =	vsub.s32 $0x140, v5;
	v5 =	vimm.s32 $0x3FFF  }
.LBB2_8:
0x5b: {  	v11 =	vld [tilespmem:s15+$0x0];
	_ =	sdelay $0x1  }
0x5c: {  	v8 =	vadd.s32 v7, v5  }
0x5d: {  	v8 =	vshra.s32 v8, $0x1  }
0x5e: {  	v12 =	vmov s15;
	v10 =	vadd.s32 v2, v8  }
0x5f: {  	v9 =	vimm.s32 $0x0;
	s17 =	simm.s32 $0x10;
	s18 =	simm.s32 $0x10;
	vm1 =	vle.s32 v12, v10;
	vm0 =	veq.f32 v11, v3  }
.LBB2_9:
0x60: {  	v11 =	vld [tilespmem:s18+$0x0];
	p0 =	sne.s32 s17, $0x3FF0;
	vm0 =	vmand vm1, vm0;
	s19 =	smov.u32 s17;
	s17 =	sadd.s32 $0x10, s17  }
.Ltmp3:
0x61: {  	v12 =	vsel vm0, $0x1, v1;
	(pc) =	sbr.rel @p0 .LBB2_9-.Ltmp3, $3  }
0x62: {  	v9 =	vadd.s32 v12, v9;
	_ =	sdelay $0x1  }
0x63: {  	v12 =	vmov s19  }
0x64: {  	s18 =	sadd.s32 $0x10, s18;
	vm1 =	vle.s32 v12, v10;
	vm0 =	veq.f32 v11, v3  }
0x65: {  	vm0 =	vmand vm1, vm0  }
0x66: {  	v10 =	vsel vm0, $0x1, v1  }
0x67: {  	v9 =	vadd.s32 v10, v9  }
0x68: {  	[tilespmem:$0x4080] =	vst v9  }
0x69: {  	[tilespmem:$0x4090] =	vst v9  }
0x6a: {  	v60 =	vld [tilespmem:$0x4088];
	_ =	sdelay $0x4  }
0x6b: {  	v9 =	vadd.s32 v9, v60  }
0x6c: {  	[tilespmem:$0x4080] =	vst v9  }
0x6d: {  	[tilespmem:$0x4090] =	vst v9  }
0x6e: {  	v61 =	vld [tilespmem:$0x4084];
	_ =	sdelay $0x4  }
0x6f: {  	v9 =	vadd.s32 v9, v61  }
0x70: {  	[tilespmem:$0x4080] =	vst v9  }
0x71: {  	[tilespmem:$0x4090] =	vst v9  }
0x72: {  	v62 =	vld [tilespmem:$0x4082];
	_ =	sdelay $0x4  }
0x73: {  	v9 =	vadd.s32 v9, v62  }
0x74: {  	[tilespmem:$0x4080] =	vst v9  }
0x75: {  	[tilespmem:$0x4090] =	vst v9  }
0x76: {  	v63 =	vld [tilespmem:$0x4081]  }
0x77: {  	s16 =	sadd.s32 $0x1, s16  }
0x78: {  	p0 =	sne.s32 s16, $0xF  }
.Ltmp4:
0x79: {  	_ = 	snop;
	(pc) =	sbr.rel @p0 .LBB2_8-.Ltmp4, $4  }
0x7a: {  	_ = 	snop  }
0x7b: {  	v9 =	vadd.s32 v9, v63  }
0x7c: {  	vm15 =	vlt.s32 v9, v6  }
0x7d: {  	v7 =	vsel vm15, v8, v7;
	v5 =	vsel vm15, v5, v8  }
0x7e: {  	s16 =	simm.s32 $0x0  }
0x7f: {  	s17 =	simm.s32 $0x10;
	s15 =	simm.s32 $0x0;
	v6 =	vld [tilespmem:s16+$0x0]  }
.LBB2_12:
0x80: {  	p0 =	sne.s32 s17, $0x3FF0;
	_ =	sdelay $0x2  }
0x81: {  	v7 =	vor.u32 s16, v0;
	s16 =	smov.u32 s17  }
0x82: {  	vm1 =	vle.s32 v7, v5;
	vm0 =	veq.f32 v6, v3  }
0x83: {  	vm2 =	vgt.f32 v6, v3;
	vm1 =	vmand vm1, vm0  }
.Ltmp5:
0x84: {  	vm0 =	vle.f32 v4, $3.200000000e+02;
	vm1 =	vmor vm2, vm1;
	(pc) =	sbr.rel @p0 .LBB2_12-.Ltmp5, $4  }
0x85: {  	vm1 =	vmor vm0, vm1  }
0x86: {  	v6 =	vnsel vm1, $0x0, v6  }
0x87: {  	[tilespmem:s15+$0x0] =	vst v6;
	s15 =	sadd.s32 $0x10, s15  }
0x88: {  	s17 =	sadd.s32 $0x10, s17;
	v6 =	vld [tilespmem:s15+$0x0]  }
0x89: {  	_ =	sdelay $0x2  }
0x8a: {  	v4 =	vor.u32 s16, v0  }
0x8b: {  	vm2 =	vle.s32 v4, v5;
	vm1 =	veq.f32 v6, v3  }
0x8c: {  	vm3 =	vgt.f32 v6, v3;
	vm1 =	vmand vm2, vm1  }
0x8d: {  	vm1 =	vmor vm3, vm1  }
0x8e: {  	vm0 =	vmor vm0, vm1  }
0x8f: {  	v3 =	vnsel vm0, $0x0, v6  }
0x90: {  	[tilespmem:s15+$0x0] =	vst v3;
	s15 =	simm.s32 $0x0  }
0x91: {  	[hbm4b:s5+s10] =	stream.strided.scatter [tilespmem:s15], [sflag:$0x1], $0x4000, s11, s10, $0x38;
	[tilespmem:$0x4100] =	vst v63  }
0x92: {  	_ =	swait.ge [sflag:s12], $0x4000  }
0x93: {  	[sflag:s12] =	ssyncset.done $0x0  }
0x94: {  	[sflag:s12] =	ssyncadd.s32 $0xFFFFC000  }
0x95: {  	[tilespmem:s15], [sflag:$0x1] =	stream.strided.gather [hbm4b:s6+s10], $0x4000, s11, s10, $0x38;
	[tilespmem:$0x4100] =	vst v63  }
0x96: {  	_ =	swait.ge [sflag:s12], $0x4000  }
0x97: {  	[sflag:s12] =	ssyncset.done $0x0  }
0x98: {  	[sflag:s12] =	ssyncadd.s32 $0xFFFFC000  }
0x99: {  	[tilespmem:s13], [sflag:$0x1] =	stream.linear.gather [hbm4b:s7+s15], $0x80, $0x38;
	[tilespmem:$0x4100] =	vst v63  }
0x9a: {  	_ =	swait.ge [sflag:s12], $0x80  }
0x9b: {  	[sflag:s12] =	ssyncset.done $0x0  }
0x9c: {  	[sflag:s12] =	ssyncadd.s32 $0xFFFFFF80  }
0x9d: {  	v5 =	vimm.f32 $1.001000050e+00;
	v3 =	vimm.f32 $0.0e+00;
	v4 =	vld [tilespmem:$0x4000]  }
.LBB2_14:
0x9e: {  	v6 =	vadd.f32 v5, v3;
	s17 =	simm.s32 $0x0  }
0x9f: {  	v8 =	vld [tilespmem:s17+$0x0]  }
0xa0: {  	v7 =	vimm.s32 $0x0;
	s16 =	simm.s32 $0x40;
	v6 =	vmul.f32 $5.000000000e-01, v6  }
.LBB2_15:
0xa1: {  	p0 =	sne.s32 s16, $0xFFC0  }
.Ltmp6:
0xa2: {  	_ = 	snop;
	(pc) =	sbr.rel @p0 .LBB2_15-.Ltmp6, $4  }
0xa3: {  	_ = 	snop  }
0xa4: {  	s17 =	sshra.s32 s16, $0x2;
	s16 =	sadd.s32 $0x40, s16;
	vm0 =	vge.f32 v8, v6  }
0xa5: {  	v8 =	vld [tilespmem:s17+$0x0];
	v9 =	vsel vm0, $0x1, v1  }
0xa6: {  	v7 =	vadd.s32 v9, v7  }
0xa7: {  	_ =	sdelay $0x2  }
0xa8: {  	vm0 =	vge.f32 v8, v6  }
0xa9: {  	v8 =	vsel vm0, $0x1, v1  }
0xaa: {  	v7 =	vadd.s32 v8, v7  }
0xab: {  	[tilespmem:$0x4080] =	vst v7  }
0xac: {  	[tilespmem:$0x4090] =	vst v7  }
0xad: {  	v60 =	vld [tilespmem:$0x4088];
	_ =	sdelay $0x4  }
0xae: {  	v7 =	vadd.s32 v7, v60  }
0xaf: {  	[tilespmem:$0x4080] =	vst v7  }
0xb0: {  	[tilespmem:$0x4090] =	vst v7  }
0xb1: {  	v61 =	vld [tilespmem:$0x4084];
	_ =	sdelay $0x4  }
0xb2: {  	v7 =	vadd.s32 v7, v61  }
0xb3: {  	[tilespmem:$0x4080] =	vst v7  }
0xb4: {  	[tilespmem:$0x4090] =	vst v7  }
0xb5: {  	v62 =	vld [tilespmem:$0x4082];
	_ =	sdelay $0x4  }
0xb6: {  	v7 =	vadd.s32 v7, v62  }
0xb7: {  	[tilespmem:$0x4080] =	vst v7  }
0xb8: {  	[tilespmem:$0x4090] =	vst v7  }
0xb9: {  	v63 =	vld [tilespmem:$0x4081]  }
0xba: {  	s15 =	sadd.s32 $0x1, s15  }
0xbb: {  	p0 =	sne.s32 s15, $0x30  }
.Ltmp7:
0xbc: {  	_ = 	snop;
	(pc) =	sbr.rel @p0 .LBB2_14-.Ltmp7, $4  }
0xbd: {  	_ = 	snop  }
0xbe: {  	v7 =	vadd.s32 v7, v63  }
0xbf: {  	vm15 =	vgt.s32 v7, $0x13F  }
0xc0: {  	v3 =	vsel vm15, v6, v3;
	v5 =	vsel vm15, v5, v6  }
0xc1: {  	s16 =	simm.s32 $0x0  }
0xc2: {  	v6 =	vld [tilespmem:s16+$0x0]  }
0xc3: {  	v5 =	vimm.s32 $0x0;
	s15 =	simm.s32 $0x40  }
.LBB2_18:
0xc4: {  	p0 =	sne.s32 s15, $0xFFC0  }
.Ltmp8:
0xc5: {  	_ = 	snop;
	(pc) =	sbr.rel @p0 .LBB2_18-.Ltmp8, $4  }
0xc6: {  	_ = 	snop  }
0xc7: {  	s16 =	sshra.s32 s15, $0x2;
	s15 =	sadd.s32 $0x40, s15;
	vm0 =	vgt.f32 v6, v3  }
0xc8: {  	v6 =	vld [tilespmem:s16+$0x0];
	v7 =	vsel vm0, $0x1, v1  }
0xc9: {  	v5 =	vadd.s32 v7, v5  }
0xca: {  	_ =	sdelay $0x2  }
0xcb: {  	vm0 =	vgt.f32 v6, v3  }
0xcc: {  	v6 =	vsel vm0, $0x1, v1  }
0xcd: {  	v5 =	vadd.s32 v6, v5  }
0xce: {  	[tilespmem:$0x4080] =	vst v5  }
0xcf: {  	[tilespmem:$0x4090] =	vst v5  }
0xd0: {  	v6 =	vld [tilespmem:$0x4088];
	_ =	sdelay $0x4  }
0xd1: {  	v5 =	vadd.s32 v5, v6  }
0xd2: {  	[tilespmem:$0x4080] =	vst v5  }
0xd3: {  	[tilespmem:$0x4090] =	vst v5  }
0xd4: {  	v6 =	vld [tilespmem:$0x4084];
	_ =	sdelay $0x4  }
0xd5: {  	v5 =	vadd.s32 v5, v6  }
0xd6: {  	[tilespmem:$0x4080] =	vst v5  }
0xd7: {  	[tilespmem:$0x4090] =	vst v5  }
0xd8: {  	v6 =	vld [tilespmem:$0x4082];
	_ =	sdelay $0x4  }
0xd9: {  	v5 =	vadd.s32 v5, v6  }
0xda: {  	[tilespmem:$0x4080] =	vst v5  }
0xdb: {  	[tilespmem:$0x4090] =	vst v5  }
0xdc: {  	v6 =	vld [tilespmem:$0x4081];
	_ =	sdelay $0x4  }
0xdd: {  	v5 =	vadd.s32 v6, v5  }
0xde: {  	s15 =	simm.s32 $0x0;
	v7 =	vimm.s32 $0xFFFFFFFF;
	s16 =	simm.s32 $0x0;
	v6 =	vsub.s32 $0x140, v5;
	v5 =	vimm.s32 $0x3FFF  }
.LBB2_20:
0xdf: {  	v11 =	vld [tilespmem:s15+$0x0];
	_ =	sdelay $0x1  }
0xe0: {  	v8 =	vadd.s32 v7, v5  }
0xe1: {  	v8 =	vshra.s32 v8, $0x1  }
0xe2: {  	v12 =	vmov s15;
	v10 =	vadd.s32 v2, v8  }
0xe3: {  	v9 =	vimm.s32 $0x0;
	s17 =	simm.s32 $0x10;
	s18 =	simm.s32 $0x10;
	vm1 =	vle.s32 v12, v10;
	vm0 =	veq.f32 v11, v3  }
.LBB2_21:
0xe4: {  	v11 =	vld [tilespmem:s18+$0x0];
	p0 =	sne.s32 s17, $0x3FF0;
	vm0 =	vmand vm1, vm0;
	s19 =	smov.u32 s17;
	s17 =	sadd.s32 $0x10, s17  }
.Ltmp9:
0xe5: {  	v12 =	vsel vm0, $0x1, v1;
	(pc) =	sbr.rel @p0 .LBB2_21-.Ltmp9, $3  }
0xe6: {  	v9 =	vadd.s32 v12, v9;
	_ =	sdelay $0x1  }
0xe7: {  	v12 =	vmov s19  }
0xe8: {  	s18 =	sadd.s32 $0x10, s18;
	vm1 =	vle.s32 v12, v10;
	vm0 =	veq.f32 v11, v3  }
0xe9: {  	vm0 =	vmand vm1, vm0  }
0xea: {  	v10 =	vsel vm0, $0x1, v1  }
0xeb: {  	v9 =	vadd.s32 v10, v9  }
0xec: {  	[tilespmem:$0x4080] =	vst v9  }
0xed: {  	[tilespmem:$0x4090] =	vst v9  }
0xee: {  	v60 =	vld [tilespmem:$0x4088];
	_ =	sdelay $0x4  }
0xef: {  	v9 =	vadd.s32 v9, v60  }
0xf0: {  	[tilespmem:$0x4080] =	vst v9  }
0xf1: {  	[tilespmem:$0x4090] =	vst v9  }
0xf2: {  	v61 =	vld [tilespmem:$0x4084];
	_ =	sdelay $0x4  }
0xf3: {  	v9 =	vadd.s32 v9, v61  }
0xf4: {  	[tilespmem:$0x4080] =	vst v9  }
0xf5: {  	[tilespmem:$0x4090] =	vst v9  }
0xf6: {  	v62 =	vld [tilespmem:$0x4082];
	_ =	sdelay $0x4  }
0xf7: {  	v9 =	vadd.s32 v9, v62  }
0xf8: {  	[tilespmem:$0x4080] =	vst v9  }
0xf9: {  	[tilespmem:$0x4090] =	vst v9  }
0xfa: {  	v63 =	vld [tilespmem:$0x4081]  }
0xfb: {  	s16 =	sadd.s32 $0x1, s16  }
0xfc: {  	p0 =	sne.s32 s16, $0xF  }
.Ltmp10:
0xfd: {  	_ = 	snop;
	(pc) =	sbr.rel @p0 .LBB2_20-.Ltmp10, $4  }
0xfe: {  	_ = 	snop  }
0xff: {  	v9 =	vadd.s32 v9, v63  }
0x100: {  	vm15 =	vlt.s32 v9, v6  }
0x101: {  	v7 =	vsel vm15, v8, v7;
	v5 =	vsel vm15, v5, v8  }
0x102: {  	s16 =	simm.s32 $0x0  }
0x103: {  	s17 =	simm.s32 $0x10;
	s15 =	simm.s32 $0x0;
	v6 =	vld [tilespmem:s16+$0x0]  }
.LBB2_24:
0x104: {  	p0 =	sne.s32 s17, $0x3FF0;
	_ =	sdelay $0x2  }
0x105: {  	v7 =	vor.u32 s16, v0;
	s16 =	smov.u32 s17  }
0x106: {  	vm1 =	vle.s32 v7, v5;
	vm0 =	veq.f32 v6, v3  }
0x107: {  	vm2 =	vgt.f32 v6, v3;
	vm1 =	vmand vm1, vm0  }
.Ltmp11:
0x108: {  	vm0 =	vle.f32 v4, $3.200000000e+02;
	vm1 =	vmor vm2, vm1;
	(pc) =	sbr.rel @p0 .LBB2_24-.Ltmp11, $4  }
0x109: {  	vm1 =	vmor vm0, vm1  }
0x10a: {  	v6 =	vnsel vm1, $0x0, v6  }
0x10b: {  	[tilespmem:s15+$0x0] =	vst v6;
	s15 =	sadd.s32 $0x10, s15  }
0x10c: {  	s17 =	sadd.s32 $0x10, s17;
	v6 =	vld [tilespmem:s15+$0x0]  }
0x10d: {  	_ =	sdelay $0x2  }
0x10e: {  	v4 =	vor.u32 s16, v0  }
0x10f: {  	vm2 =	vle.s32 v4, v5;
	vm1 =	veq.f32 v6, v3  }
0x110: {  	vm3 =	vgt.f32 v6, v3;
	vm1 =	vmand vm2, vm1  }
0x111: {  	vm1 =	vmor vm3, vm1  }
0x112: {  	s14 =	sadd.s32 $0x1, s14;
	vm0 =	vmor vm0, vm1  }
0x113: {  	p0 =	sne.s32 s14, s9;
	v3 =	vnsel vm0, $0x0, v6  }
.Ltmp12:
0x114: {  	[tilespmem:s15+$0x0] =	vst v3;
	(pc) =	sbr.rel @p0 .LBB2_1-.Ltmp12, $4  }
0x115: {  	[hbm4b:s8+s10] =	stream.strided.scatter [tilespmem:s2], [sflag:$0x1], $0x4000, s11, s10, $0x38;
	[tilespmem:$0x4100] =	vst v63  }
0x116: {  	_ =	swait.ge [sflag:s12], $0x4000  }
0x117: {  	[sflag:s12] =	ssyncset.done $0x0  }
0x118: {  	[sflag:s12] =	ssyncadd.s32 $0xFFFFC000  }
0x119: {  	_ =	sfence.sel $0x180000  }
0x11a: {  	[bflag:$0x0] =	sbarrier.arrive $0xFFFF  }
0x11b: {  	p0 =	sne.s32 s1, $0x0;
	_ =	strace $0x90000047  }
0x11c: {  	s0 =	sadd.s32 @!p0 $0x100000, s0;
	[bflag:$0x2] =	sbarrier.arrive $0xFFFF  }
0x11d: {  	[sflag:s0] =	ssyncadd.tile.s32 @!p0 $0x1;
	_ =	shalt  }
.Lfunc_end2:
_tile_overlayer_lowered:
.L_overlay_start_2:
0x11e: {  	(tag) =	ssettag $0x2  }
0x11f: {  	s0 =	rddreg [dreg:$0x0];
	s2 =	stileid.u32  }
0x120: {  	s1 =	rddreg [dreg:$0x1];
	p0 =	sne.s32 s2, $0x0  }
0x121: {  	s3 =	rddreg [dreg:$0x2];
	[bflag:$0x3] =	sbarrier.arrive $0xFFFF;
	s2 =	simm.s32 @!p0 $0x1C01  }
0x122: {  	[timem:s3], [sflag:s2] =	dma.local @!p0 [hbm:s0], s1  }
0x123: {  	s0 =	simm.s32 @!p0 $0x1  }
0x124: {  	_ =	swait.ge @!p0 [sflag:s0], s1  }
0x125: {  	s1 =	ssub.s32 @!p0 $0x0, s1;
	[sflag:s0] =	ssyncset.done @!p0 $0x0  }
0x126: {  	[sflag:s0] =	ssyncadd.s32 @!p0 s1  }
0x127: {  	[bflag:$0x3] =	sbarrier.arrive $0xFFFF  }
0x128: {  	_ =	shalt  }

</sc_bundles>
